<compile_context>
chip_gen: v7x
topology: tpu7x:2x2x1
jax: 0.10.2.dev20260603
libtpu: 0.0.44.dev20260713+nightly
codegen_flags: <defaults>
</compile_context>

<pallas_src>
import jax
import jax.numpy as jnp
from jax import lax
from jax.experimental import pallas as pl
from jax.experimental.pallas import tpu as pltpu
from jax.experimental.pallas import tpu_sc as plsc

N = 10000
E = 160000
D_IN = 256
H = 128
NC = 2
NS = 16
RPT = 632
RPT_LAST = N - 15 * RPT


def _tile_slab_copy(s, src_fn, dst_fn):
    off = pl.multiple_of(s * RPT, 8)

    @pl.when(s < NS - 1)
    def _():
        pltpu.sync_copy(src_fn(off, RPT), dst_fn(off, RPT))

    @pl.when(s == NS - 1)
    def _():
        pltpu.sync_copy(src_fn(off, RPT_LAST), dst_fn(off, RPT_LAST))


A_CH = 125
A_ROWS = E // (NC * NS * A_CH)
A_W = 128


def _deg_body(zero_ref, dst_ref, out_ref, deg_sp, idx_v, ones_v):
    c = lax.axis_index("c")
    s = lax.axis_index("s")

    def ofill(i, carry):
        for j in range(A_W // 16):
            ones_v[i, pl.ds(j * 16, 16)] = jnp.ones((16,), jnp.float32)
        return carry

    lax.fori_loop(0, A_CH, ofill, 0)

    _tile_slab_copy(
        s,
        lambda o, n: zero_ref.at[pl.ds(o, n)],
        lambda o, n: deg_sp.at[pl.ds(o, n)],
    )

    wid = c * NS + s
    pltpu.sync_copy(dst_ref.at[pl.ds(pl.multiple_of(wid * A_ROWS, 8), A_ROWS)],
                    idx_v)
    plsc.subcore_barrier()

    def scat(g, carry):
        pltpu.sync_copy(ones_v, deg_sp.at[idx_v.at[g]], add=True)
        return carry

    lax.fori_loop(0, A_ROWS, scat, 0)

    plsc.subcore_barrier()
    _tile_slab_copy(
        s,
        lambda o, n: deg_sp.at[pl.ds(o, n)],
        lambda o, n: out_ref.at[pl.ds(pl.multiple_of(c * N, 8) + o, n)],
    )


_deg_kernel = pl.kernel(
    _deg_body,
    out_type=jax.ShapeDtypeStruct((2 * N, A_W), jnp.float32),
    mesh=plsc.VectorSubcoreMesh(core_axis_name="c", subcore_axis_name="s"),
    scratch_types=[
        pltpu.VMEM_SHARED((N, A_W), jnp.float32),
        pltpu.VMEM((A_ROWS, A_CH), jnp.int32),
        pltpu.VMEM((A_CH, A_W), jnp.float32),
    ],
)

C_CH = 125
C_ROWS = E // (NS * C_CH)
C_HALF = C_ROWS // 2


def _agg_body(y_ref, srcb_ref, dst_ref, out_ref, acc_sp, sidx_v, didx_v,
              rows0_v, rows1_v, sem0, sem1):
    c = lax.axis_index("c")
    s = lax.axis_index("s")

    _tile_slab_copy(
        s,
        lambda o, n: y_ref.at[pl.ds(pl.multiple_of(c * N, 8) + o, n)],
        lambda o, n: acc_sp.at[pl.ds(o, n)],
    )

    row0 = pl.multiple_of(c * (E // C_CH) + s * C_ROWS, 8)
    dbase = pl.multiple_of(s * C_ROWS, 8)
    plsc.subcore_barrier()

    for hb in (0, C_HALF):
        pltpu.sync_copy(srcb_ref.at[pl.ds(row0 + hb, C_HALF)], sidx_v)
        pltpu.sync_copy(dst_ref.at[pl.ds(dbase + hb, C_HALF)], didx_v)
        pltpu.async_copy(y_ref.at[sidx_v.at[0]], rows0_v, sem0)

        def step(h, carry):
            g0 = 2 * h
            pltpu.async_copy(y_ref.at[sidx_v.at[g0 + 1]], rows1_v, sem1)
            pltpu.make_async_copy(y_ref.at[sidx_v.at[g0]], rows0_v,
                                  sem0).wait()
            pltpu.sync_copy(rows0_v, acc_sp.at[didx_v.at[g0]], add=True)

            @pl.when(g0 + 2 < C_HALF)
            def _():
                pltpu.async_copy(y_ref.at[sidx_v.at[g0 + 2]], rows0_v, sem0)

            pltpu.make_async_copy(y_ref.at[sidx_v.at[g0 + 1]], rows1_v,
                                  sem1).wait()
            pltpu.sync_copy(rows1_v, acc_sp.at[didx_v.at[g0 + 1]], add=True)
            return carry

        lax.fori_loop(0, C_HALF // 2, step, 0)

    plsc.subcore_barrier()
    _tile_slab_copy(
        s,
        lambda o, n: acc_sp.at[pl.ds(o, n)],
        lambda o, n: out_ref.at[pl.ds(pl.multiple_of(c * N, 8) + o, n)],
    )


_agg_kernel = pl.kernel(
    _agg_body,
    out_type=jax.ShapeDtypeStruct((2 * N, H), jnp.float32),
    mesh=plsc.VectorSubcoreMesh(core_axis_name="c", subcore_axis_name="s"),
    scratch_types=[
        pltpu.VMEM_SHARED((N, H), jnp.float32),
        pltpu.VMEM((C_HALF, C_CH), jnp.int32),
        pltpu.VMEM((C_HALF, C_CH), jnp.int32),
        pltpu.VMEM((C_CH, H), jnp.float32),
        pltpu.VMEM((C_CH, H), jnp.float32),
        pltpu.SemaphoreType.DMA,
        pltpu.SemaphoreType.DMA,
    ],
)

R_B = 1000


def _mm_body(x_ref, w_ref, o_ref):
    o_ref[...] = jnp.dot(x_ref[...], w_ref[...],
                         preferred_element_type=jnp.float32)


def _matmul(x, w):
    return pl.pallas_call(
        _mm_body,
        grid=(N // R_B,),
        in_specs=[
            pl.BlockSpec((R_B, D_IN), lambda i: (i, 0)),
            pl.BlockSpec((D_IN, D_IN), lambda i: (0, 0)),
        ],
        out_specs=pl.BlockSpec((R_B, D_IN), lambda i: (i, 0)),
        out_shape=jax.ShapeDtypeStruct((N, D_IN), jnp.float32),
    )(x, w)


def _scale_body(xw_ref, d0_ref, d1_ref, y_ref, dinv_ref):
    deg = d0_ref[:, 0] + d1_ref[:, 0] + 1.0
    dinv = lax.rsqrt(deg)
    y = xw_ref[...] * dinv[:, None]
    y_ref[0] = y[:, :H]
    y_ref[1] = y[:, H:]
    dinv_ref[...] = dinv[:, None]


def _scale(xw, degp):
    grid = N // R_B
    return pl.pallas_call(
        _scale_body,
        grid=(grid,),
        in_specs=[
            pl.BlockSpec((R_B, D_IN), lambda i: (i, 0)),
            pl.BlockSpec((R_B, A_W), lambda i: (i, 0)),
            pl.BlockSpec((R_B, A_W), lambda i: (i + grid, 0)),
        ],
        out_specs=[
            pl.BlockSpec((2, R_B, H), lambda i: (0, i, 0)),
            pl.BlockSpec((R_B, 1), lambda i: (i, 0)),
        ],
        out_shape=[
            jax.ShapeDtypeStruct((2, N, H), jnp.float32),
            jax.ShapeDtypeStruct((N, 1), jnp.float32),
        ],
    )(xw, degp, degp)


def _fin_body(s_ref, dinv_ref, b_ref, o_ref):
    row = jnp.concatenate([s_ref[0], s_ref[1]], axis=1)
    o_ref[...] = jnp.maximum(row * dinv_ref[...] + b_ref[...], 0.0)


def _finalize(s2, dinv, b2):
    return pl.pallas_call(
        _fin_body,
        grid=(N // R_B,),
        in_specs=[
            pl.BlockSpec((2, R_B, H), lambda i: (0, i, 0)),
            pl.BlockSpec((R_B, 1), lambda i: (i, 0)),
            pl.BlockSpec((1, D_IN), lambda i: (0, 0)),
        ],
        out_specs=pl.BlockSpec((R_B, D_IN), lambda i: (i, 0)),
        out_shape=jax.ShapeDtypeStruct((N, D_IN), jnp.float32),
    )(s2, dinv, b2)


def kernel(x, edge_index, W, b):
    src = edge_index[0].astype(jnp.int32)
    dst = edge_index[1].astype(jnp.int32)

    dstA = dst.reshape(E // A_CH, A_CH)
    dstC = dst.reshape(E // C_CH, C_CH)
    srcb = jnp.concatenate([src, src + N]).reshape(2 * (E // C_CH), C_CH)

    xw = _matmul(x, W)
    degp = _deg_kernel(jnp.zeros((N, A_W), jnp.float32), dstA)
    y2, dinv = _scale(xw, degp)
    y_flat = y2.reshape(2 * N, H)
    s_flat = _agg_kernel(y_flat, srcb, dstC)
    return _finalize(s_flat.reshape(2, N, H), dinv, b.reshape(1, D_IN))

# --- scband reference (transcript-rebuilt; emitter-appended) ---
"""Pipeline reference for scband-gcnlayer-70196945485868 (READ-ONLY COPY).

The authoritative reference and input builder live on the scoring server;
editing this copy changes nothing except your own understanding.
"""

import jax, jax.numpy as jnp
import numpy as np

N_NODES = 10000
N_EDGES = 160000
D_IN = 256
D_OUT = 256


def setup_inputs(seed: int = 0) -> dict:
    key = jax.random.key(seed)
    k1, k2, k3, k4 = jax.random.split(key, 4)
    x = jax.random.normal(k1, (N_NODES, D_IN), dtype=jnp.float32)
    edge_index = jax.random.randint(k2, (2, N_EDGES), 0, N_NODES, dtype=jnp.int64)
    # Glorot-style init for GCN weight, zeros for bias (PyG defaults)
    limit = np.sqrt(6.0 / (D_IN + D_OUT))
    W = jax.random.uniform(k3, (D_IN, D_OUT), dtype=jnp.float32, minval=-limit, maxval=limit)
    b = jnp.zeros((D_OUT,), dtype=jnp.float32)
    return {"x": x, "edge_index": edge_index, "W": W, "b": b}


def reference(x, edge_index, W, b):
    # Faithful JAX translation of GCNLayer: GCNConv (with self-loops and
    # symmetric normalization, PyG defaults) followed by ReLU.
    N = x.shape[0]
    src = edge_index[0]
    dst = edge_index[1]
    # add self-loops
    loop = jnp.arange(N, dtype=src.dtype)
    src = jnp.concatenate([src, loop])
    dst = jnp.concatenate([dst, loop])
    # degree computed on destination nodes (edge weight = 1)
    deg = jnp.zeros((N,), dtype=x.dtype).at[dst].add(1.0)
    deg_inv_sqrt = jnp.where(deg > 0, jax.lax.rsqrt(deg), 0.0)
    norm = deg_inv_sqrt[src] * deg_inv_sqrt[dst]
    # linear transform then message passing (gather -> scale -> scatter-add)
    xw = x @ W
    msg = xw[src] * norm[:, None]
    out = jnp.zeros((N, W.shape[1]), dtype=x.dtype).at[dst].add(msg)
    out = out + b
    return jax.nn.relu(out)

if __name__ == "__main__":
    import jax
    _d = setup_inputs()
    print(jax.jit(kernel)(*tuple(_d.values())))

</pallas_src>

<mosaic_0001>
#map = affine_map<(d0, d1) -> (0, 0)>
module attributes {stable_mosaic.version = 14 : i64} {
  func.func @_agg_body(%arg0: i32, %arg1: i32, %arg2: memref<20000x128xf32, #tpu.memory_space<hbm>>, %arg3: memref<2560x125xi32, #tpu.memory_space<hbm>>, %arg4: memref<1280x125xi32, #tpu.memory_space<hbm>>, %arg5: memref<20000x128xf32, #tpu.memory_space<hbm>>, %arg6: memref<10000x128xf32, #tpu.memory_space<vmem_shared>>, %arg7: memref<40x125xi32, #tpu.memory_space<vmem>>, %arg8: memref<40x125xi32, #tpu.memory_space<vmem>>, %arg9: memref<125x128xf32, #tpu.memory_space<vmem>>, %arg10: memref<125x128xf32, #tpu.memory_space<vmem>>, %arg11: memref<!tpu.dma_semaphore, #tpu.memory_space<semaphore_mem>>, %arg12: memref<!tpu.dma_semaphore, #tpu.memory_space<semaphore_mem>>) attributes {dimension_semantics = [#tpu.dimension_semantics<core_parallel>, #tpu.dimension_semantics<subcore_parallel>], iteration_bounds = array<i64: 2, 16>, scalar_prefetch = 0 : i64, scratch_operands = 7 : i64, tpu.core_type = #tpu.core_type<sc_vector_subcore>, window_params = [{transform_indices = #map}, {transform_indices = #map}, {transform_indices = #map}, {transform_indices = #map}]} {
    %mul3A = arith.constant 632 : i32
    %mul3A_0 = arith.muli %arg1, %mul3A : i32
    %multiple_of3A = tpu.assume_multiple %mul3A_0, 8 : i32
    %lt3A = arith.constant 15 : i32
    %lt3A_1 = arith.cmpi slt, %arg1, %lt3A : i32
    %convert_element_type3A = arith.extui %lt3A_1 : i1 to i32
    %cond3A = arith.constant 0 : i32
    %cond3A_2 = arith.cmpi ne, %convert_element_type3A, %cond3A : i32
    scf.if %cond3A_2 {
      %mul3A_61 = arith.constant 10000 : i32
      %mul3A_62 = arith.muli %arg0, %mul3A_61 : i32
      %multiple_of3A_63 = tpu.assume_multiple %mul3A_62, 8 : i32
      %add3A_64 = arith.addi %multiple_of3A_63, %multiple_of3A : i32
      "tpu.region"() ({
        %run_scoped3A = tpu.sem_alloc : memref<!tpu.dma_semaphore, #tpu.memory_space<semaphore_mem>>
        %dma_start3A_65 = arith.constant 0 : i32
        %dma_start3A_66 = tpu.memref_slice %arg6[%multiple_of3A, %dma_start3A_65] : memref<10000x128xf32, #tpu.memory_space<vmem_shared>> -> memref<632x128xf32, #tpu.memory_space<vmem_shared>>
        %dma_start3A_67 = arith.constant 0 : i32
        %dma_start3A_68 = tpu.memref_slice %arg2[%add3A_64, %dma_start3A_67] : memref<20000x128xf32, #tpu.memory_space<hbm>> -> memref<632x128xf32, #tpu.memory_space<hbm>>
        tpu.enqueue_dma source(%dma_start3A_68 : memref<632x128xf32, #tpu.memory_space<hbm>>) target(%dma_start3A_66 : memref<632x128xf32, #tpu.memory_space<vmem_shared>>) target_semaphore(%run_scoped3A : memref<!tpu.dma_semaphore, #tpu.memory_space<semaphore_mem>>)
        %dma_wait3A = arith.constant 0 : i32
        %dma_wait3A_69 = tpu.memref_slice %arg6[%multiple_of3A, %dma_wait3A] : memref<10000x128xf32, #tpu.memory_space<vmem_shared>> -> memref<632x128xf32, #tpu.memory_space<vmem_shared>>
        %dma_wait3A_70 = arith.constant 0 : i32
        %dma_wait3A_71 = tpu.memref_slice %arg2[%add3A_64, %dma_wait3A_70] : memref<20000x128xf32, #tpu.memory_space<hbm>> -> memref<632x128xf32, #tpu.memory_space<hbm>>
        tpu.wait_dma2 semaphore(%run_scoped3A : memref<!tpu.dma_semaphore, #tpu.memory_space<semaphore_mem>>) src(%dma_wait3A_71 : memref<632x128xf32, #tpu.memory_space<hbm>>) dst(%dma_wait3A_69 : memref<632x128xf32, #tpu.memory_space<vmem_shared>>)
        tpu.yield
      }) : () -> ()
    } else {
    }
    %eq3A = arith.constant 15 : i32
    %eq3A_3 = arith.cmpi eq, %arg1, %eq3A : i32
    %convert_element_type3A_4 = arith.extui %eq3A_3 : i1 to i32
    %cond3A_5 = arith.constant 0 : i32
    %cond3A_6 = arith.cmpi ne, %convert_element_type3A_4, %cond3A_5 : i32
    scf.if %cond3A_6 {
      %mul3A_61 = arith.constant 10000 : i32
      %mul3A_62 = arith.muli %arg0, %mul3A_61 : i32
      %multiple_of3A_63 = tpu.assume_multiple %mul3A_62, 8 : i32
      %add3A_64 = arith.addi %multiple_of3A_63, %multiple_of3A : i32
      "tpu.region"() ({
        %run_scoped3A = tpu.sem_alloc : memref<!tpu.dma_semaphore, #tpu.memory_space<semaphore_mem>>
        %dma_start3A_65 = arith.constant 0 : i32
        %dma_start3A_66 = tpu.memref_slice %arg6[%multiple_of3A, %dma_start3A_65] : memref<10000x128xf32, #tpu.memory_space<vmem_shared>> -> memref<520x128xf32, #tpu.memory_space<vmem_shared>>
        %dma_start3A_67 = arith.constant 0 : i32
        %dma_start3A_68 = tpu.memref_slice %arg2[%add3A_64, %dma_start3A_67] : memref<20000x128xf32, #tpu.memory_space<hbm>> -> memref<520x128xf32, #tpu.memory_space<hbm>>
        tpu.enqueue_dma source(%dma_start3A_68 : memref<520x128xf32, #tpu.memory_space<hbm>>) target(%dma_start3A_66 : memref<520x128xf32, #tpu.memory_space<vmem_shared>>) target_semaphore(%run_scoped3A : memref<!tpu.dma_semaphore, #tpu.memory_space<semaphore_mem>>)
        %dma_wait3A = arith.constant 0 : i32
        %dma_wait3A_69 = tpu.memref_slice %arg6[%multiple_of3A, %dma_wait3A] : memref<10000x128xf32, #tpu.memory_space<vmem_shared>> -> memref<520x128xf32, #tpu.memory_space<vmem_shared>>
        %dma_wait3A_70 = arith.constant 0 : i32
        %dma_wait3A_71 = tpu.memref_slice %arg2[%add3A_64, %dma_wait3A_70] : memref<20000x128xf32, #tpu.memory_space<hbm>> -> memref<520x128xf32, #tpu.memory_space<hbm>>
        tpu.wait_dma2 semaphore(%run_scoped3A : memref<!tpu.dma_semaphore, #tpu.memory_space<semaphore_mem>>) src(%dma_wait3A_71 : memref<520x128xf32, #tpu.memory_space<hbm>>) dst(%dma_wait3A_69 : memref<520x128xf32, #tpu.memory_space<vmem_shared>>)
        tpu.yield
      }) : () -> ()
    } else {
    }
    %mul3A_7 = arith.constant 1280 : i32
    %mul3A_8 = arith.muli %arg0, %mul3A_7 : i32
    %mul3A_9 = arith.constant 80 : i32
    %mul3A_10 = arith.muli %arg1, %mul3A_9 : i32
    %add3A = arith.addi %mul3A_8, %mul3A_10 : i32
    %multiple_of3A_11 = tpu.assume_multiple %add3A, 8 : i32
    %mul3A_12 = arith.constant 80 : i32
    %mul3A_13 = arith.muli %arg1, %mul3A_12 : i32
    %multiple_of3A_14 = tpu.assume_multiple %mul3A_13, 8 : i32
    %barrier3A = arith.constant 0 : index
    tpu.barrier barrier_id(%barrier3A)
    %add3A_15 = arith.constant 0 : i32
    %add3A_16 = arith.addi %multiple_of3A_11, %add3A_15 : i32
    "tpu.region"() ({
      %run_scoped3A = tpu.sem_alloc : memref<!tpu.dma_semaphore, #tpu.memory_space<semaphore_mem>>
      %dma_start3A_61 = arith.constant 0 : i32
      %dma_start3A_62 = tpu.memref_slice %arg3[%add3A_16, %dma_start3A_61] : memref<2560x125xi32, #tpu.memory_space<hbm>> -> memref<40x125xi32, #tpu.memory_space<hbm>>
      %dma_start3A_63 = arith.constant 0 : i32
      %dma_start3A_64 = tpu.memref_slice %arg3[%add3A_16, %dma_start3A_63] : memref<2560x125xi32, #tpu.memory_space<hbm>> -> memref<40x125xi32, #tpu.memory_space<hbm>>
      tpu.enqueue_dma source(%dma_start3A_64 : memref<40x125xi32, #tpu.memory_space<hbm>>) target(%arg7 : memref<40x125xi32, #tpu.memory_space<vmem>>) target_semaphore(%run_scoped3A : memref<!tpu.dma_semaphore, #tpu.memory_space<semaphore_mem>>)
      %dma_wait3A = arith.constant 0 : i32
      %dma_wait3A_65 = tpu.memref_slice %arg3[%add3A_16, %dma_wait3A] : memref<2560x125xi32, #tpu.memory_space<hbm>> -> memref<40x125xi32, #tpu.memory_space<hbm>>
      %dma_wait3A_66 = arith.constant 0 : i32
      %dma_wait3A_67 = tpu.memref_slice %arg3[%add3A_16, %dma_wait3A_66] : memref<2560x125xi32, #tpu.memory_space<hbm>> -> memref<40x125xi32, #tpu.memory_space<hbm>>
      tpu.wait_dma2 semaphore(%run_scoped3A : memref<!tpu.dma_semaphore, #tpu.memory_space<semaphore_mem>>) src(%dma_wait3A_67 : memref<40x125xi32, #tpu.memory_space<hbm>>) dst(%arg7 : memref<40x125xi32, #tpu.memory_space<vmem>>)
      tpu.yield
    }) : () -> ()
    %add3A_17 = arith.constant 0 : i32
    %add3A_18 = arith.addi %multiple_of3A_14, %add3A_17 : i32
    "tpu.region"() ({
      %run_scoped3A = tpu.sem_alloc : memref<!tpu.dma_semaphore, #tpu.memory_space<semaphore_mem>>
      %dma_start3A_61 = arith.constant 0 : i32
      %dma_start3A_62 = tpu.memref_slice %arg4[%add3A_18, %dma_start3A_61] : memref<1280x125xi32, #tpu.memory_space<hbm>> -> memref<40x125xi32, #tpu.memory_space<hbm>>
      %dma_start3A_63 = arith.constant 0 : i32
      %dma_start3A_64 = tpu.memref_slice %arg4[%add3A_18, %dma_start3A_63] : memref<1280x125xi32, #tpu.memory_space<hbm>> -> memref<40x125xi32, #tpu.memory_space<hbm>>
      tpu.enqueue_dma source(%dma_start3A_64 : memref<40x125xi32, #tpu.memory_space<hbm>>) target(%arg8 : memref<40x125xi32, #tpu.memory_space<vmem>>) target_semaphore(%run_scoped3A : memref<!tpu.dma_semaphore, #tpu.memory_space<semaphore_mem>>)
      %dma_wait3A = arith.constant 0 : i32
      %dma_wait3A_65 = tpu.memref_slice %arg4[%add3A_18, %dma_wait3A] : memref<1280x125xi32, #tpu.memory_space<hbm>> -> memref<40x125xi32, #tpu.memory_space<hbm>>
      %dma_wait3A_66 = arith.constant 0 : i32
      %dma_wait3A_67 = tpu.memref_slice %arg4[%add3A_18, %dma_wait3A_66] : memref<1280x125xi32, #tpu.memory_space<hbm>> -> memref<40x125xi32, #tpu.memory_space<hbm>>
      tpu.wait_dma2 semaphore(%run_scoped3A : memref<!tpu.dma_semaphore, #tpu.memory_space<semaphore_mem>>) src(%dma_wait3A_67 : memref<40x125xi32, #tpu.memory_space<hbm>>) dst(%arg8 : memref<40x125xi32, #tpu.memory_space<vmem>>)
      tpu.yield
    }) : () -> ()
    %dma_start3A = arith.constant 0 : i32
    %dma_start3A_19 = arith.constant 0 : i32
    %dma_start3A_20 = tpu.memref_slice %arg7[%dma_start3A, %dma_start3A_19] : memref<40x125xi32, #tpu.memory_space<vmem>> -> memref<1x125xi32, #tpu.memory_space<vmem>>
    %dma_start3A_21 = tpu.memref_squeeze %dma_start3A_20 : memref<1x125xi32, #tpu.memory_space<vmem>> -> memref<125xi32, #tpu.memory_space<vmem>>
    %dma_start3A_22 = arith.constant 0 : i32
    %dma_start3A_23 = arith.constant 0 : i32
    %dma_start3A_24 = tpu.memref_slice %arg2[%dma_start3A_22, %dma_start3A_23] : memref<20000x128xf32, #tpu.memory_space<hbm>> -> memref<20000x128xf32, #tpu.memory_space<hbm>>
    tpu.enqueue_indirect_dma source(%dma_start3A_24 : memref<20000x128xf32, #tpu.memory_space<hbm>>) target(%arg9 : memref<125x128xf32, #tpu.memory_space<vmem>>) offsets(%dma_start3A_21 : memref<125xi32, #tpu.memory_space<vmem>>) semaphore(%arg11 : memref<!tpu.dma_semaphore, #tpu.memory_space<semaphore_mem>>)
    %scan3A = arith.constant 0 : i32
    %scan3A_25 = arith.constant 0 : i32
    %scan3A_26 = arith.constant 20 : i32
    %scan3A_27 = arith.addi %scan3A_25, %scan3A_26 : i32
    %scan3A_28 = arith.constant 1 : i32
    scf.for %scan3A_61 = %scan3A_25 to %scan3A_27 step %scan3A_28  : i32 {
      %mul3A_62 = arith.constant 2 : i32
      %mul3A_63 = arith.muli %mul3A_62, %scan3A_61 : i32
      %add3A_64 = arith.constant 1 : i32
      %add3A_65 = arith.addi %mul3A_63, %add3A_64 : i32
      %dma_start3A_66 = arith.constant 0 : i32
      %dma_start3A_67 = tpu.memref_slice %arg7[%add3A_65, %dma_start3A_66] : memref<40x125xi32, #tpu.memory_space<vmem>> -> memref<1x125xi32, #tpu.memory_space<vmem>>
      %dma_start3A_68 = tpu.memref_squeeze %dma_start3A_67 : memref<1x125xi32, #tpu.memory_space<vmem>> -> memref<125xi32, #tpu.memory_space<vmem>>
      %dma_start3A_69 = arith.constant 0 : i32
      %dma_start3A_70 = arith.constant 0 : i32
      %dma_start3A_71 = tpu.memref_slice %arg2[%dma_start3A_69, %dma_start3A_70] : memref<20000x128xf32, #tpu.memory_space<hbm>> -> memref<20000x128xf32, #tpu.memory_space<hbm>>
      tpu.enqueue_indirect_dma source(%dma_start3A_71 : memref<20000x128xf32, #tpu.memory_space<hbm>>) target(%arg10 : memref<125x128xf32, #tpu.memory_space<vmem>>) offsets(%dma_start3A_68 : memref<125xi32, #tpu.memory_space<vmem>>) semaphore(%arg12 : memref<!tpu.dma_semaphore, #tpu.memory_space<semaphore_mem>>)
      %dma_wait3A = arith.constant 0 : i32
      %dma_wait3A_72 = tpu.memref_slice %arg7[%mul3A_63, %dma_wait3A] : memref<40x125xi32, #tpu.memory_space<vmem>> -> memref<1x125xi32, #tpu.memory_space<vmem>>
      %dma_wait3A_73 = tpu.memref_squeeze %dma_wait3A_72 : memref<1x125xi32, #tpu.memory_space<vmem>> -> memref<125xi32, #tpu.memory_space<vmem>>
      %dma_wait3A_74 = arith.constant 0 : i32
      %dma_wait3A_75 = arith.constant 0 : i32
      %dma_wait3A_76 = tpu.memref_slice %arg2[%dma_wait3A_74, %dma_wait3A_75] : memref<20000x128xf32, #tpu.memory_space<hbm>> -> memref<20000x128xf32, #tpu.memory_space<hbm>>
      tpu.wait_indirect_dma semaphore(%arg11 : memref<!tpu.dma_semaphore, #tpu.memory_space<semaphore_mem>>) src(%dma_wait3A_76 : memref<20000x128xf32, #tpu.memory_space<hbm>>) dst(%arg9 : memref<125x128xf32, #tpu.memory_space<vmem>>)
      "tpu.region"() ({
        %run_scoped3A = tpu.sem_alloc : memref<!tpu.dma_semaphore, #tpu.memory_space<semaphore_mem>>
        %dma_start3A_94 = arith.constant 0 : i32
        %dma_start3A_95 = tpu.memref_slice %arg8[%mul3A_63, %dma_start3A_94] : memref<40x125xi32, #tpu.memory_space<vmem>> -> memref<1x125xi32, #tpu.memory_space<vmem>>
        %dma_start3A_96 = tpu.memref_squeeze %dma_start3A_95 : memref<1x125xi32, #tpu.memory_space<vmem>> -> memref<125xi32, #tpu.memory_space<vmem>>
        %dma_start3A_97 = arith.constant 0 : i32
        %dma_start3A_98 = arith.constant 0 : i32
        %dma_start3A_99 = tpu.memref_slice %arg6[%dma_start3A_97, %dma_start3A_98] : memref<10000x128xf32, #tpu.memory_space<vmem_shared>> -> memref<10000x128xf32, #tpu.memory_space<vmem_shared>>
        tpu.enqueue_indirect_dma source(%arg9 : memref<125x128xf32, #tpu.memory_space<vmem>>) target(%dma_start3A_99 : memref<10000x128xf32, #tpu.memory_space<vmem_shared>>) offsets(%dma_start3A_96 : memref<125xi32, #tpu.memory_space<vmem>>) semaphore(%run_scoped3A : memref<!tpu.dma_semaphore, #tpu.memory_space<semaphore_mem>>) {add = true}
        %dma_wait3A_100 = arith.constant 0 : i32
        %dma_wait3A_101 = tpu.memref_slice %arg8[%mul3A_63, %dma_wait3A_100] : memref<40x125xi32, #tpu.memory_space<vmem>> -> memref<1x125xi32, #tpu.memory_space<vmem>>
        %dma_wait3A_102 = tpu.memref_squeeze %dma_wait3A_101 : memref<1x125xi32, #tpu.memory_space<vmem>> -> memref<125xi32, #tpu.memory_space<vmem>>
        %dma_wait3A_103 = arith.constant 0 : i32
        %dma_wait3A_104 = arith.constant 0 : i32
        %dma_wait3A_105 = tpu.memref_slice %arg6[%dma_wait3A_103, %dma_wait3A_104] : memref<10000x128xf32, #tpu.memory_space<vmem_shared>> -> memref<10000x128xf32, #tpu.memory_space<vmem_shared>>
        tpu.wait_indirect_dma semaphore(%run_scoped3A : memref<!tpu.dma_semaphore, #tpu.memory_space<semaphore_mem>>) src(%arg9 : memref<125x128xf32, #tpu.memory_space<vmem>>) dst(%dma_wait3A_105 : memref<10000x128xf32, #tpu.memory_space<vmem_shared>>)
        tpu.yield
      }) : () -> ()
      %add3A_77 = arith.constant 2 : i32
      %add3A_78 = arith.addi %mul3A_63, %add3A_77 : i32
      %lt3A_79 = arith.constant 40 : i32
      %lt3A_80 = arith.cmpi slt, %add3A_78, %lt3A_79 : i32
      %convert_element_type3A_81 = arith.extui %lt3A_80 : i1 to i32
      %cond3A_82 = arith.constant 0 : i32
      %cond3A_83 = arith.cmpi ne, %convert_element_type3A_81, %cond3A_82 : i32
      scf.if %cond3A_83 {
        %add3A_94 = arith.constant 2 : i32
        %add3A_95 = arith.addi %mul3A_63, %add3A_94 : i32
        %dma_start3A_96 = arith.constant 0 : i32
        %dma_start3A_97 = tpu.memref_slice %arg7[%add3A_95, %dma_start3A_96] : memref<40x125xi32, #tpu.memory_space<vmem>> -> memref<1x125xi32, #tpu.memory_space<vmem>>
        %dma_start3A_98 = tpu.memref_squeeze %dma_start3A_97 : memref<1x125xi32, #tpu.memory_space<vmem>> -> memref<125xi32, #tpu.memory_space<vmem>>
        %dma_start3A_99 = arith.constant 0 : i32
        %dma_start3A_100 = arith.constant 0 : i32
        %dma_start3A_101 = tpu.memref_slice %arg2[%dma_start3A_99, %dma_start3A_100] : memref<20000x128xf32, #tpu.memory_space<hbm>> -> memref<20000x128xf32, #tpu.memory_space<hbm>>
        tpu.enqueue_indirect_dma source(%dma_start3A_101 : memref<20000x128xf32, #tpu.memory_space<hbm>>) target(%arg9 : memref<125x128xf32, #tpu.memory_space<vmem>>) offsets(%dma_start3A_98 : memref<125xi32, #tpu.memory_space<vmem>>) semaphore(%arg11 : memref<!tpu.dma_semaphore, #tpu.memory_space<semaphore_mem>>)
      } else {
      }
      %add3A_84 = arith.constant 1 : i32
      %add3A_85 = arith.addi %mul3A_63, %add3A_84 : i32
      %dma_wait3A_86 = arith.constant 0 : i32
      %dma_wait3A_87 = tpu.memref_slice %arg7[%add3A_85, %dma_wait3A_86] : memref<40x125xi32, #tpu.memory_space<vmem>> -> memref<1x125xi32, #tpu.memory_space<vmem>>
      %dma_wait3A_88 = tpu.memref_squeeze %dma_wait3A_87 : memref<1x125xi32, #tpu.memory_space<vmem>> -> memref<125xi32, #tpu.memory_space<vmem>>
      %dma_wait3A_89 = arith.constant 0 : i32
      %dma_wait3A_90 = arith.constant 0 : i32
      %dma_wait3A_91 = tpu.memref_slice %arg2[%dma_wait3A_89, %dma_wait3A_90] : memref<20000x128xf32, #tpu.memory_space<hbm>> -> memref<20000x128xf32, #tpu.memory_space<hbm>>
      tpu.wait_indirect_dma semaphore(%arg12 : memref<!tpu.dma_semaphore, #tpu.memory_space<semaphore_mem>>) src(%dma_wait3A_91 : memref<20000x128xf32, #tpu.memory_space<hbm>>) dst(%arg10 : memref<125x128xf32, #tpu.memory_space<vmem>>)
      %add3A_92 = arith.constant 1 : i32
      %add3A_93 = arith.addi %mul3A_63, %add3A_92 : i32
      "tpu.region"() ({
        %run_scoped3A = tpu.sem_alloc : memref<!tpu.dma_semaphore, #tpu.memory_space<semaphore_mem>>
        %dma_start3A_94 = arith.constant 0 : i32
        %dma_start3A_95 = tpu.memref_slice %arg8[%add3A_93, %dma_start3A_94] : memref<40x125xi32, #tpu.memory_space<vmem>> -> memref<1x125xi32, #tpu.memory_space<vmem>>
        %dma_start3A_96 = tpu.memref_squeeze %dma_start3A_95 : memref<1x125xi32, #tpu.memory_space<vmem>> -> memref<125xi32, #tpu.memory_space<vmem>>
        %dma_start3A_97 = arith.constant 0 : i32
        %dma_start3A_98 = arith.constant 0 : i32
        %dma_start3A_99 = tpu.memref_slice %arg6[%dma_start3A_97, %dma_start3A_98] : memref<10000x128xf32, #tpu.memory_space<vmem_shared>> -> memref<10000x128xf32, #tpu.memory_space<vmem_shared>>
        tpu.enqueue_indirect_dma source(%arg10 : memref<125x128xf32, #tpu.memory_space<vmem>>) target(%dma_start3A_99 : memref<10000x128xf32, #tpu.memory_space<vmem_shared>>) offsets(%dma_start3A_96 : memref<125xi32, #tpu.memory_space<vmem>>) semaphore(%run_scoped3A : memref<!tpu.dma_semaphore, #tpu.memory_space<semaphore_mem>>) {add = true}
        %dma_wait3A_100 = arith.constant 0 : i32
        %dma_wait3A_101 = tpu.memref_slice %arg8[%add3A_93, %dma_wait3A_100] : memref<40x125xi32, #tpu.memory_space<vmem>> -> memref<1x125xi32, #tpu.memory_space<vmem>>
        %dma_wait3A_102 = tpu.memref_squeeze %dma_wait3A_101 : memref<1x125xi32, #tpu.memory_space<vmem>> -> memref<125xi32, #tpu.memory_space<vmem>>
        %dma_wait3A_103 = arith.constant 0 : i32
        %dma_wait3A_104 = arith.constant 0 : i32
        %dma_wait3A_105 = tpu.memref_slice %arg6[%dma_wait3A_103, %dma_wait3A_104] : memref<10000x128xf32, #tpu.memory_space<vmem_shared>> -> memref<10000x128xf32, #tpu.memory_space<vmem_shared>>
        tpu.wait_indirect_dma semaphore(%run_scoped3A : memref<!tpu.dma_semaphore, #tpu.memory_space<semaphore_mem>>) src(%arg10 : memref<125x128xf32, #tpu.memory_space<vmem>>) dst(%dma_wait3A_105 : memref<10000x128xf32, #tpu.memory_space<vmem_shared>>)
        tpu.yield
      }) : () -> ()
    }
    %scan3A_29 = arith.constant 20 : i32
    %add3A_30 = arith.constant 40 : i32
    %add3A_31 = arith.addi %multiple_of3A_11, %add3A_30 : i32
    "tpu.region"() ({
      %run_scoped3A = tpu.sem_alloc : memref<!tpu.dma_semaphore, #tpu.memory_space<semaphore_mem>>
      %dma_start3A_61 = arith.constant 0 : i32
      %dma_start3A_62 = tpu.memref_slice %arg3[%add3A_31, %dma_start3A_61] : memref<2560x125xi32, #tpu.memory_space<hbm>> -> memref<40x125xi32, #tpu.memory_space<hbm>>
      %dma_start3A_63 = arith.constant 0 : i32
      %dma_start3A_64 = tpu.memref_slice %arg3[%add3A_31, %dma_start3A_63] : memref<2560x125xi32, #tpu.memory_space<hbm>> -> memref<40x125xi32, #tpu.memory_space<hbm>>
      tpu.enqueue_dma source(%dma_start3A_64 : memref<40x125xi32, #tpu.memory_space<hbm>>) target(%arg7 : memref<40x125xi32, #tpu.memory_space<vmem>>) target_semaphore(%run_scoped3A : memref<!tpu.dma_semaphore, #tpu.memory_space<semaphore_mem>>)
      %dma_wait3A = arith.constant 0 : i32
      %dma_wait3A_65 = tpu.memref_slice %arg3[%add3A_31, %dma_wait3A] : memref<2560x125xi32, #tpu.memory_space<hbm>> -> memref<40x125xi32, #tpu.memory_space<hbm>>
      %dma_wait3A_66 = arith.constant 0 : i32
      %dma_wait3A_67 = tpu.memref_slice %arg3[%add3A_31, %dma_wait3A_66] : memref<2560x125xi32, #tpu.memory_space<hbm>> -> memref<40x125xi32, #tpu.memory_space<hbm>>
      tpu.wait_dma2 semaphore(%run_scoped3A : memref<!tpu.dma_semaphore, #tpu.memory_space<semaphore_mem>>) src(%dma_wait3A_67 : memref<40x125xi32, #tpu.memory_space<hbm>>) dst(%arg7 : memref<40x125xi32, #tpu.memory_space<vmem>>)
      tpu.yield
    }) : () -> ()
    %add3A_32 = arith.constant 40 : i32
    %add3A_33 = arith.addi %multiple_of3A_14, %add3A_32 : i32
    "tpu.region"() ({
      %run_scoped3A = tpu.sem_alloc : memref<!tpu.dma_semaphore, #tpu.memory_space<semaphore_mem>>
      %dma_start3A_61 = arith.constant 0 : i32
      %dma_start3A_62 = tpu.memref_slice %arg4[%add3A_33, %dma_start3A_61] : memref<1280x125xi32, #tpu.memory_space<hbm>> -> memref<40x125xi32, #tpu.memory_space<hbm>>
      %dma_start3A_63 = arith.constant 0 : i32
      %dma_start3A_64 = tpu.memref_slice %arg4[%add3A_33, %dma_start3A_63] : memref<1280x125xi32, #tpu.memory_space<hbm>> -> memref<40x125xi32, #tpu.memory_space<hbm>>
      tpu.enqueue_dma source(%dma_start3A_64 : memref<40x125xi32, #tpu.memory_space<hbm>>) target(%arg8 : memref<40x125xi32, #tpu.memory_space<vmem>>) target_semaphore(%run_scoped3A : memref<!tpu.dma_semaphore, #tpu.memory_space<semaphore_mem>>)
      %dma_wait3A = arith.constant 0 : i32
      %dma_wait3A_65 = tpu.memref_slice %arg4[%add3A_33, %dma_wait3A] : memref<1280x125xi32, #tpu.memory_space<hbm>> -> memref<40x125xi32, #tpu.memory_space<hbm>>
      %dma_wait3A_66 = arith.constant 0 : i32
      %dma_wait3A_67 = tpu.memref_slice %arg4[%add3A_33, %dma_wait3A_66] : memref<1280x125xi32, #tpu.memory_space<hbm>> -> memref<40x125xi32, #tpu.memory_space<hbm>>
      tpu.wait_dma2 semaphore(%run_scoped3A : memref<!tpu.dma_semaphore, #tpu.memory_space<semaphore_mem>>) src(%dma_wait3A_67 : memref<40x125xi32, #tpu.memory_space<hbm>>) dst(%arg8 : memref<40x125xi32, #tpu.memory_space<vmem>>)
      tpu.yield
    }) : () -> ()
    %dma_start3A_34 = arith.constant 0 : i32
    %dma_start3A_35 = arith.constant 0 : i32
    %dma_start3A_36 = tpu.memref_slice %arg7[%dma_start3A_34, %dma_start3A_35] : memref<40x125xi32, #tpu.memory_space<vmem>> -> memref<1x125xi32, #tpu.memory_space<vmem>>
    %dma_start3A_37 = tpu.memref_squeeze %dma_start3A_36 : memref<1x125xi32, #tpu.memory_space<vmem>> -> memref<125xi32, #tpu.memory_space<vmem>>
    %dma_start3A_38 = arith.constant 0 : i32
    %dma_start3A_39 = arith.constant 0 : i32
    %dma_start3A_40 = tpu.memref_slice %arg2[%dma_start3A_38, %dma_start3A_39] : memref<20000x128xf32, #tpu.memory_space<hbm>> -> memref<20000x128xf32, #tpu.memory_space<hbm>>
    tpu.enqueue_indirect_dma source(%dma_start3A_40 : memref<20000x128xf32, #tpu.memory_space<hbm>>) target(%arg9 : memref<125x128xf32, #tpu.memory_space<vmem>>) offsets(%dma_start3A_37 : memref<125xi32, #tpu.memory_space<vmem>>) semaphore(%arg11 : memref<!tpu.dma_semaphore, #tpu.memory_space<semaphore_mem>>)
    %scan3A_41 = arith.constant 0 : i32
    %scan3A_42 = arith.constant 0 : i32
    %scan3A_43 = arith.constant 20 : i32
    %scan3A_44 = arith.addi %scan3A_42, %scan3A_43 : i32
    %scan3A_45 = arith.constant 1 : i32
    scf.for %scan3A_61 = %scan3A_42 to %scan3A_44 step %scan3A_45  : i32 {
      %mul3A_62 = arith.constant 2 : i32
      %mul3A_63 = arith.muli %mul3A_62, %scan3A_61 : i32
      %add3A_64 = arith.constant 1 : i32
      %add3A_65 = arith.addi %mul3A_63, %add3A_64 : i32
      %dma_start3A_66 = arith.constant 0 : i32
      %dma_start3A_67 = tpu.memref_slice %arg7[%add3A_65, %dma_start3A_66] : memref<40x125xi32, #tpu.memory_space<vmem>> -> memref<1x125xi32, #tpu.memory_space<vmem>>
      %dma_start3A_68 = tpu.memref_squeeze %dma_start3A_67 : memref<1x125xi32, #tpu.memory_space<vmem>> -> memref<125xi32, #tpu.memory_space<vmem>>
      %dma_start3A_69 = arith.constant 0 : i32
      %dma_start3A_70 = arith.constant 0 : i32
      %dma_start3A_71 = tpu.memref_slice %arg2[%dma_start3A_69, %dma_start3A_70] : memref<20000x128xf32, #tpu.memory_space<hbm>> -> memref<20000x128xf32, #tpu.memory_space<hbm>>
      tpu.enqueue_indirect_dma source(%dma_start3A_71 : memref<20000x128xf32, #tpu.memory_space<hbm>>) target(%arg10 : memref<125x128xf32, #tpu.memory_space<vmem>>) offsets(%dma_start3A_68 : memref<125xi32, #tpu.memory_space<vmem>>) semaphore(%arg12 : memref<!tpu.dma_semaphore, #tpu.memory_space<semaphore_mem>>)
      %dma_wait3A = arith.constant 0 : i32
      %dma_wait3A_72 = tpu.memref_slice %arg7[%mul3A_63, %dma_wait3A] : memref<40x125xi32, #tpu.memory_space<vmem>> -> memref<1x125xi32, #tpu.memory_space<vmem>>
      %dma_wait3A_73 = tpu.memref_squeeze %dma_wait3A_72 : memref<1x125xi32, #tpu.memory_space<vmem>> -> memref<125xi32, #tpu.memory_space<vmem>>
      %dma_wait3A_74 = arith.constant 0 : i32
      %dma_wait3A_75 = arith.constant 0 : i32
      %dma_wait3A_76 = tpu.memref_slice %arg2[%dma_wait3A_74, %dma_wait3A_75] : memref<20000x128xf32, #tpu.memory_space<hbm>> -> memref<20000x128xf32, #tpu.memory_space<hbm>>
      tpu.wait_indirect_dma semaphore(%arg11 : memref<!tpu.dma_semaphore, #tpu.memory_space<semaphore_mem>>) src(%dma_wait3A_76 : memref<20000x128xf32, #tpu.memory_space<hbm>>) dst(%arg9 : memref<125x128xf32, #tpu.memory_space<vmem>>)
      "tpu.region"() ({
        %run_scoped3A = tpu.sem_alloc : memref<!tpu.dma_semaphore, #tpu.memory_space<semaphore_mem>>
        %dma_start3A_94 = arith.constant 0 : i32
        %dma_start3A_95 = tpu.memref_slice %arg8[%mul3A_63, %dma_start3A_94] : memref<40x125xi32, #tpu.memory_space<vmem>> -> memref<1x125xi32, #tpu.memory_space<vmem>>
        %dma_start3A_96 = tpu.memref_squeeze %dma_start3A_95 : memref<1x125xi32, #tpu.memory_space<vmem>> -> memref<125xi32, #tpu.memory_space<vmem>>
        %dma_start3A_97 = arith.constant 0 : i32
        %dma_start3A_98 = arith.constant 0 : i32
        %dma_start3A_99 = tpu.memref_slice %arg6[%dma_start3A_97, %dma_start3A_98] : memref<10000x128xf32, #tpu.memory_space<vmem_shared>> -> memref<10000x128xf32, #tpu.memory_space<vmem_shared>>
        tpu.enqueue_indirect_dma source(%arg9 : memref<125x128xf32, #tpu.memory_space<vmem>>) target(%dma_start3A_99 : memref<10000x128xf32, #tpu.memory_space<vmem_shared>>) offsets(%dma_start3A_96 : memref<125xi32, #tpu.memory_space<vmem>>) semaphore(%run_scoped3A : memref<!tpu.dma_semaphore, #tpu.memory_space<semaphore_mem>>) {add = true}
        %dma_wait3A_100 = arith.constant 0 : i32
        %dma_wait3A_101 = tpu.memref_slice %arg8[%mul3A_63, %dma_wait3A_100] : memref<40x125xi32, #tpu.memory_space<vmem>> -> memref<1x125xi32, #tpu.memory_space<vmem>>
        %dma_wait3A_102 = tpu.memref_squeeze %dma_wait3A_101 : memref<1x125xi32, #tpu.memory_space<vmem>> -> memref<125xi32, #tpu.memory_space<vmem>>
        %dma_wait3A_103 = arith.constant 0 : i32
        %dma_wait3A_104 = arith.constant 0 : i32
        %dma_wait3A_105 = tpu.memref_slice %arg6[%dma_wait3A_103, %dma_wait3A_104] : memref<10000x128xf32, #tpu.memory_space<vmem_shared>> -> memref<10000x128xf32, #tpu.memory_space<vmem_shared>>
        tpu.wait_indirect_dma semaphore(%run_scoped3A : memref<!tpu.dma_semaphore, #tpu.memory_space<semaphore_mem>>) src(%arg9 : memref<125x128xf32, #tpu.memory_space<vmem>>) dst(%dma_wait3A_105 : memref<10000x128xf32, #tpu.memory_space<vmem_shared>>)
        tpu.yield
      }) : () -> ()
      %add3A_77 = arith.constant 2 : i32
      %add3A_78 = arith.addi %mul3A_63, %add3A_77 : i32
      %lt3A_79 = arith.constant 40 : i32
      %lt3A_80 = arith.cmpi slt, %add3A_78, %lt3A_79 : i32
      %convert_element_type3A_81 = arith.extui %lt3A_80 : i1 to i32
      %cond3A_82 = arith.constant 0 : i32
      %cond3A_83 = arith.cmpi ne, %convert_element_type3A_81, %cond3A_82 : i32
      scf.if %cond3A_83 {
        %add3A_94 = arith.constant 2 : i32
        %add3A_95 = arith.addi %mul3A_63, %add3A_94 : i32
        %dma_start3A_96 = arith.constant 0 : i32
        %dma_start3A_97 = tpu.memref_slice %arg7[%add3A_95, %dma_start3A_96] : memref<40x125xi32, #tpu.memory_space<vmem>> -> memref<1x125xi32, #tpu.memory_space<vmem>>
        %dma_start3A_98 = tpu.memref_squeeze %dma_start3A_97 : memref<1x125xi32, #tpu.memory_space<vmem>> -> memref<125xi32, #tpu.memory_space<vmem>>
        %dma_start3A_99 = arith.constant 0 : i32
        %dma_start3A_100 = arith.constant 0 : i32
        %dma_start3A_101 = tpu.memref_slice %arg2[%dma_start3A_99, %dma_start3A_100] : memref<20000x128xf32, #tpu.memory_space<hbm>> -> memref<20000x128xf32, #tpu.memory_space<hbm>>
        tpu.enqueue_indirect_dma source(%dma_start3A_101 : memref<20000x128xf32, #tpu.memory_space<hbm>>) target(%arg9 : memref<125x128xf32, #tpu.memory_space<vmem>>) offsets(%dma_start3A_98 : memref<125xi32, #tpu.memory_space<vmem>>) semaphore(%arg11 : memref<!tpu.dma_semaphore, #tpu.memory_space<semaphore_mem>>)
      } else {
      }
      %add3A_84 = arith.constant 1 : i32
      %add3A_85 = arith.addi %mul3A_63, %add3A_84 : i32
      %dma_wait3A_86 = arith.constant 0 : i32
      %dma_wait3A_87 = tpu.memref_slice %arg7[%add3A_85, %dma_wait3A_86] : memref<40x125xi32, #tpu.memory_space<vmem>> -> memref<1x125xi32, #tpu.memory_space<vmem>>
      %dma_wait3A_88 = tpu.memref_squeeze %dma_wait3A_87 : memref<1x125xi32, #tpu.memory_space<vmem>> -> memref<125xi32, #tpu.memory_space<vmem>>
      %dma_wait3A_89 = arith.constant 0 : i32
      %dma_wait3A_90 = arith.constant 0 : i32
      %dma_wait3A_91 = tpu.memref_slice %arg2[%dma_wait3A_89, %dma_wait3A_90] : memref<20000x128xf32, #tpu.memory_space<hbm>> -> memref<20000x128xf32, #tpu.memory_space<hbm>>
      tpu.wait_indirect_dma semaphore(%arg12 : memref<!tpu.dma_semaphore, #tpu.memory_space<semaphore_mem>>) src(%dma_wait3A_91 : memref<20000x128xf32, #tpu.memory_space<hbm>>) dst(%arg10 : memref<125x128xf32, #tpu.memory_space<vmem>>)
      %add3A_92 = arith.constant 1 : i32
      %add3A_93 = arith.addi %mul3A_63, %add3A_92 : i32
      "tpu.region"() ({
        %run_scoped3A = tpu.sem_alloc : memref<!tpu.dma_semaphore, #tpu.memory_space<semaphore_mem>>
        %dma_start3A_94 = arith.constant 0 : i32
        %dma_start3A_95 = tpu.memref_slice %arg8[%add3A_93, %dma_start3A_94] : memref<40x125xi32, #tpu.memory_space<vmem>> -> memref<1x125xi32, #tpu.memory_space<vmem>>
        %dma_start3A_96 = tpu.memref_squeeze %dma_start3A_95 : memref<1x125xi32, #tpu.memory_space<vmem>> -> memref<125xi32, #tpu.memory_space<vmem>>
        %dma_start3A_97 = arith.constant 0 : i32
        %dma_start3A_98 = arith.constant 0 : i32
        %dma_start3A_99 = tpu.memref_slice %arg6[%dma_start3A_97, %dma_start3A_98] : memref<10000x128xf32, #tpu.memory_space<vmem_shared>> -> memref<10000x128xf32, #tpu.memory_space<vmem_shared>>
        tpu.enqueue_indirect_dma source(%arg10 : memref<125x128xf32, #tpu.memory_space<vmem>>) target(%dma_start3A_99 : memref<10000x128xf32, #tpu.memory_space<vmem_shared>>) offsets(%dma_start3A_96 : memref<125xi32, #tpu.memory_space<vmem>>) semaphore(%run_scoped3A : memref<!tpu.dma_semaphore, #tpu.memory_space<semaphore_mem>>) {add = true}
        %dma_wait3A_100 = arith.constant 0 : i32
        %dma_wait3A_101 = tpu.memref_slice %arg8[%add3A_93, %dma_wait3A_100] : memref<40x125xi32, #tpu.memory_space<vmem>> -> memref<1x125xi32, #tpu.memory_space<vmem>>
        %dma_wait3A_102 = tpu.memref_squeeze %dma_wait3A_101 : memref<1x125xi32, #tpu.memory_space<vmem>> -> memref<125xi32, #tpu.memory_space<vmem>>
        %dma_wait3A_103 = arith.constant 0 : i32
        %dma_wait3A_104 = arith.constant 0 : i32
        %dma_wait3A_105 = tpu.memref_slice %arg6[%dma_wait3A_103, %dma_wait3A_104] : memref<10000x128xf32, #tpu.memory_space<vmem_shared>> -> memref<10000x128xf32, #tpu.memory_space<vmem_shared>>
        tpu.wait_indirect_dma semaphore(%run_scoped3A : memref<!tpu.dma_semaphore, #tpu.memory_space<semaphore_mem>>) src(%arg10 : memref<125x128xf32, #tpu.memory_space<vmem>>) dst(%dma_wait3A_105 : memref<10000x128xf32, #tpu.memory_space<vmem_shared>>)
        tpu.yield
      }) : () -> ()
    }
    %scan3A_46 = arith.constant 20 : i32
    %barrier3A_47 = arith.constant 0 : index
    tpu.barrier barrier_id(%barrier3A_47)
    %mul3A_48 = arith.constant 632 : i32
    %mul3A_49 = arith.muli %arg1, %mul3A_48 : i32
    %multiple_of3A_50 = tpu.assume_multiple %mul3A_49, 8 : i32
    %lt3A_51 = arith.constant 15 : i32
    %lt3A_52 = arith.cmpi slt, %arg1, %lt3A_51 : i32
    %convert_element_type3A_53 = arith.extui %lt3A_52 : i1 to i32
    %cond3A_54 = arith.constant 0 : i32
    %cond3A_55 = arith.cmpi ne, %convert_element_type3A_53, %cond3A_54 : i32
    scf.if %cond3A_55 {
      %mul3A_61 = arith.constant 10000 : i32
      %mul3A_62 = arith.muli %arg0, %mul3A_61 : i32
      %multiple_of3A_63 = tpu.assume_multiple %mul3A_62, 8 : i32
      %add3A_64 = arith.addi %multiple_of3A_63, %multiple_of3A_50 : i32
      "tpu.region"() ({
        %run_scoped3A = tpu.sem_alloc : memref<!tpu.dma_semaphore, #tpu.memory_space<semaphore_mem>>
        %dma_start3A_65 = arith.constant 0 : i32
        %dma_start3A_66 = tpu.memref_slice %arg5[%add3A_64, %dma_start3A_65] : memref<20000x128xf32, #tpu.memory_space<hbm>> -> memref<632x128xf32, #tpu.memory_space<hbm>>
        %dma_start3A_67 = arith.constant 0 : i32
        %dma_start3A_68 = tpu.memref_slice %arg6[%multiple_of3A_50, %dma_start3A_67] : memref<10000x128xf32, #tpu.memory_space<vmem_shared>> -> memref<632x128xf32, #tpu.memory_space<vmem_shared>>
        tpu.enqueue_dma source(%dma_start3A_68 : memref<632x128xf32, #tpu.memory_space<vmem_shared>>) target(%dma_start3A_66 : memref<632x128xf32, #tpu.memory_space<hbm>>) target_semaphore(%run_scoped3A : memref<!tpu.dma_semaphore, #tpu.memory_space<semaphore_mem>>)
        %dma_wait3A = arith.constant 0 : i32
        %dma_wait3A_69 = tpu.memref_slice %arg5[%add3A_64, %dma_wait3A] : memref<20000x128xf32, #tpu.memory_space<hbm>> -> memref<632x128xf32, #tpu.memory_space<hbm>>
        %dma_wait3A_70 = arith.constant 0 : i32
        %dma_wait3A_71 = tpu.memref_slice %arg6[%multiple_of3A_50, %dma_wait3A_70] : memref<10000x128xf32, #tpu.memory_space<vmem_shared>> -> memref<632x128xf32, #tpu.memory_space<vmem_shared>>
        tpu.wait_dma2 semaphore(%run_scoped3A : memref<!tpu.dma_semaphore, #tpu.memory_space<semaphore_mem>>) src(%dma_wait3A_71 : memref<632x128xf32, #tpu.memory_space<vmem_shared>>) dst(%dma_wait3A_69 : memref<632x128xf32, #tpu.memory_space<hbm>>)
        tpu.yield
      }) : () -> ()
    } else {
    }
    %eq3A_56 = arith.constant 15 : i32
    %eq3A_57 = arith.cmpi eq, %arg1, %eq3A_56 : i32
    %convert_element_type3A_58 = arith.extui %eq3A_57 : i1 to i32
    %cond3A_59 = arith.constant 0 : i32
    %cond3A_60 = arith.cmpi ne, %convert_element_type3A_58, %cond3A_59 : i32
    scf.if %cond3A_60 {
      %mul3A_61 = arith.constant 10000 : i32
      %mul3A_62 = arith.muli %arg0, %mul3A_61 : i32
      %multiple_of3A_63 = tpu.assume_multiple %mul3A_62, 8 : i32
      %add3A_64 = arith.addi %multiple_of3A_63, %multiple_of3A_50 : i32
      "tpu.region"() ({
        %run_scoped3A = tpu.sem_alloc : memref<!tpu.dma_semaphore, #tpu.memory_space<semaphore_mem>>
        %dma_start3A_65 = arith.constant 0 : i32
        %dma_start3A_66 = tpu.memref_slice %arg5[%add3A_64, %dma_start3A_65] : memref<20000x128xf32, #tpu.memory_space<hbm>> -> memref<520x128xf32, #tpu.memory_space<hbm>>
        %dma_start3A_67 = arith.constant 0 : i32
        %dma_start3A_68 = tpu.memref_slice %arg6[%multiple_of3A_50, %dma_start3A_67] : memref<10000x128xf32, #tpu.memory_space<vmem_shared>> -> memref<520x128xf32, #tpu.memory_space<vmem_shared>>
        tpu.enqueue_dma source(%dma_start3A_68 : memref<520x128xf32, #tpu.memory_space<vmem_shared>>) target(%dma_start3A_66 : memref<520x128xf32, #tpu.memory_space<hbm>>) target_semaphore(%run_scoped3A : memref<!tpu.dma_semaphore, #tpu.memory_space<semaphore_mem>>)
        %dma_wait3A = arith.constant 0 : i32
        %dma_wait3A_69 = tpu.memref_slice %arg5[%add3A_64, %dma_wait3A] : memref<20000x128xf32, #tpu.memory_space<hbm>> -> memref<520x128xf32, #tpu.memory_space<hbm>>
        %dma_wait3A_70 = arith.constant 0 : i32
        %dma_wait3A_71 = tpu.memref_slice %arg6[%multiple_of3A_50, %dma_wait3A_70] : memref<10000x128xf32, #tpu.memory_space<vmem_shared>> -> memref<520x128xf32, #tpu.memory_space<vmem_shared>>
        tpu.wait_dma2 semaphore(%run_scoped3A : memref<!tpu.dma_semaphore, #tpu.memory_space<semaphore_mem>>) src(%dma_wait3A_71 : memref<520x128xf32, #tpu.memory_space<vmem_shared>>) dst(%dma_wait3A_69 : memref<520x128xf32, #tpu.memory_space<hbm>>)
        tpu.yield
      }) : () -> ()
    } else {
    }
    return
  }
}

#map = affine_map<(d0, d1) -> (0, 0)>
module attributes {stable_mosaic.version = 14 : i64} {
  func.func @_deg_body(%arg0: i32, %arg1: i32, %arg2: memref<10000x128xf32, #tpu.memory_space<hbm>>, %arg3: memref<1280x125xi32, #tpu.memory_space<hbm>>, %arg4: memref<20000x128xf32, #tpu.memory_space<hbm>>, %arg5: memref<10000x128xf32, #tpu.memory_space<vmem_shared>>, %arg6: memref<40x125xi32, #tpu.memory_space<vmem>>, %arg7: memref<125x128xf32, #tpu.memory_space<vmem>>) attributes {dimension_semantics = [#tpu.dimension_semantics<core_parallel>, #tpu.dimension_semantics<subcore_parallel>], iteration_bounds = array<i64: 2, 16>, scalar_prefetch = 0 : i64, scratch_operands = 3 : i64, tpu.core_type = #tpu.core_type<sc_vector_subcore>, window_params = [{transform_indices = #map}, {transform_indices = #map}, {transform_indices = #map}]} {
    %scan3A = arith.constant 0 : i32
    %scan3A_0 = arith.constant 0 : i32
    %scan3A_1 = arith.constant 125 : i32
    %scan3A_2 = arith.addi %scan3A_0, %scan3A_1 : i32
    %scan3A_3 = arith.constant 1 : i32
    scf.for %scan3A_37 = %scan3A_0 to %scan3A_2 step %scan3A_3  : i32 {
      %broadcast_in_dim3A = arith.constant 1.000000e+00 : f32
      %broadcast_in_dim3A_38 = vector.broadcast %broadcast_in_dim3A : f32 to vector<16xf32>
      %swap3A = arith.index_cast %scan3A_37 : i32 to index
      %swap3A_39 = arith.constant 0 : index
      %swap3A_40 = tpu.vector_load %arg7[%swap3A, %swap3A_39] {strides = array<i32>} : memref<125x128xf32, #tpu.memory_space<vmem>>, vector<1x16xf32>,
      %swap3A_41 = vector.shape_cast %swap3A_40 : vector<1x16xf32> to vector<16xf32>
      %swap3A_42 = vector.shape_cast %broadcast_in_dim3A_38 : vector<16xf32> to vector<1x16xf32>
      tpu.vector_store %arg7[%swap3A, %swap3A_39], %swap3A_42 {strides = array<i32>} : memref<125x128xf32, #tpu.memory_space<vmem>>, vector<1x16xf32>,
      %broadcast_in_dim3A_43 = arith.constant 1.000000e+00 : f32
      %broadcast_in_dim3A_44 = vector.broadcast %broadcast_in_dim3A_43 : f32 to vector<16xf32>
      %swap3A_45 = arith.index_cast %scan3A_37 : i32 to index
      %swap3A_46 = arith.constant 16 : index
      %swap3A_47 = tpu.vector_load %arg7[%swap3A_45, %swap3A_46] {strides = array<i32>} : memref<125x128xf32, #tpu.memory_space<vmem>>, vector<1x16xf32>,
      %swap3A_48 = vector.shape_cast %swap3A_47 : vector<1x16xf32> to vector<16xf32>
      %swap3A_49 = vector.shape_cast %broadcast_in_dim3A_44 : vector<16xf32> to vector<1x16xf32>
      tpu.vector_store %arg7[%swap3A_45, %swap3A_46], %swap3A_49 {strides = array<i32>} : memref<125x128xf32, #tpu.memory_space<vmem>>, vector<1x16xf32>,
      %broadcast_in_dim3A_50 = arith.constant 1.000000e+00 : f32
      %broadcast_in_dim3A_51 = vector.broadcast %broadcast_in_dim3A_50 : f32 to vector<16xf32>
      %swap3A_52 = arith.index_cast %scan3A_37 : i32 to index
      %swap3A_53 = arith.constant 32 : index
      %swap3A_54 = tpu.vector_load %arg7[%swap3A_52, %swap3A_53] {strides = array<i32>} : memref<125x128xf32, #tpu.memory_space<vmem>>, vector<1x16xf32>,
      %swap3A_55 = vector.shape_cast %swap3A_54 : vector<1x16xf32> to vector<16xf32>
      %swap3A_56 = vector.shape_cast %broadcast_in_dim3A_51 : vector<16xf32> to vector<1x16xf32>
      tpu.vector_store %arg7[%swap3A_52, %swap3A_53], %swap3A_56 {strides = array<i32>} : memref<125x128xf32, #tpu.memory_space<vmem>>, vector<1x16xf32>,
      %broadcast_in_dim3A_57 = arith.constant 1.000000e+00 : f32
      %broadcast_in_dim3A_58 = vector.broadcast %broadcast_in_dim3A_57 : f32 to vector<16xf32>
      %swap3A_59 = arith.index_cast %scan3A_37 : i32 to index
      %swap3A_60 = arith.constant 48 : index
      %swap3A_61 = tpu.vector_load %arg7[%swap3A_59, %swap3A_60] {strides = array<i32>} : memref<125x128xf32, #tpu.memory_space<vmem>>, vector<1x16xf32>,
      %swap3A_62 = vector.shape_cast %swap3A_61 : vector<1x16xf32> to vector<16xf32>
      %swap3A_63 = vector.shape_cast %broadcast_in_dim3A_58 : vector<16xf32> to vector<1x16xf32>
      tpu.vector_store %arg7[%swap3A_59, %swap3A_60], %swap3A_63 {strides = array<i32>} : memref<125x128xf32, #tpu.memory_space<vmem>>, vector<1x16xf32>,
      %broadcast_in_dim3A_64 = arith.constant 1.000000e+00 : f32
      %broadcast_in_dim3A_65 = vector.broadcast %broadcast_in_dim3A_64 : f32 to vector<16xf32>
      %swap3A_66 = arith.index_cast %scan3A_37 : i32 to index
      %swap3A_67 = arith.constant 64 : index
      %swap3A_68 = tpu.vector_load %arg7[%swap3A_66, %swap3A_67] {strides = array<i32>} : memref<125x128xf32, #tpu.memory_space<vmem>>, vector<1x16xf32>,
      %swap3A_69 = vector.shape_cast %swap3A_68 : vector<1x16xf32> to vector<16xf32>
      %swap3A_70 = vector.shape_cast %broadcast_in_dim3A_65 : vector<16xf32> to vector<1x16xf32>
      tpu.vector_store %arg7[%swap3A_66, %swap3A_67], %swap3A_70 {strides = array<i32>} : memref<125x128xf32, #tpu.memory_space<vmem>>, vector<1x16xf32>,
      %broadcast_in_dim3A_71 = arith.constant 1.000000e+00 : f32
      %broadcast_in_dim3A_72 = vector.broadcast %broadcast_in_dim3A_71 : f32 to vector<16xf32>
      %swap3A_73 = arith.index_cast %scan3A_37 : i32 to index
      %swap3A_74 = arith.constant 80 : index
      %swap3A_75 = tpu.vector_load %arg7[%swap3A_73, %swap3A_74] {strides = array<i32>} : memref<125x128xf32, #tpu.memory_space<vmem>>, vector<1x16xf32>,
      %swap3A_76 = vector.shape_cast %swap3A_75 : vector<1x16xf32> to vector<16xf32>
      %swap3A_77 = vector.shape_cast %broadcast_in_dim3A_72 : vector<16xf32> to vector<1x16xf32>
      tpu.vector_store %arg7[%swap3A_73, %swap3A_74], %swap3A_77 {strides = array<i32>} : memref<125x128xf32, #tpu.memory_space<vmem>>, vector<1x16xf32>,
      %broadcast_in_dim3A_78 = arith.constant 1.000000e+00 : f32
      %broadcast_in_dim3A_79 = vector.broadcast %broadcast_in_dim3A_78 : f32 to vector<16xf32>
      %swap3A_80 = arith.index_cast %scan3A_37 : i32 to index
      %swap3A_81 = arith.constant 96 : index
      %swap3A_82 = tpu.vector_load %arg7[%swap3A_80, %swap3A_81] {strides = array<i32>} : memref<125x128xf32, #tpu.memory_space<vmem>>, vector<1x16xf32>,
      %swap3A_83 = vector.shape_cast %swap3A_82 : vector<1x16xf32> to vector<16xf32>
      %swap3A_84 = vector.shape_cast %broadcast_in_dim3A_79 : vector<16xf32> to vector<1x16xf32>
      tpu.vector_store %arg7[%swap3A_80, %swap3A_81], %swap3A_84 {strides = array<i32>} : memref<125x128xf32, #tpu.memory_space<vmem>>, vector<1x16xf32>,
      %broadcast_in_dim3A_85 = arith.constant 1.000000e+00 : f32
      %broadcast_in_dim3A_86 = vector.broadcast %broadcast_in_dim3A_85 : f32 to vector<16xf32>
      %swap3A_87 = arith.index_cast %scan3A_37 : i32 to index
      %swap3A_88 = arith.constant 112 : index
      %swap3A_89 = tpu.vector_load %arg7[%swap3A_87, %swap3A_88] {strides = array<i32>} : memref<125x128xf32, #tpu.memory_space<vmem>>, vector<1x16xf32>,
      %swap3A_90 = vector.shape_cast %swap3A_89 : vector<1x16xf32> to vector<16xf32>
      %swap3A_91 = vector.shape_cast %broadcast_in_dim3A_86 : vector<16xf32> to vector<1x16xf32>
      tpu.vector_store %arg7[%swap3A_87, %swap3A_88], %swap3A_91 {strides = array<i32>} : memref<125x128xf32, #tpu.memory_space<vmem>>, vector<1x16xf32>,
    }
    %scan3A_4 = arith.constant 125 : i32
    %mul3A = arith.constant 632 : i32
    %mul3A_5 = arith.muli %arg1, %mul3A : i32
    %multiple_of3A = tpu.assume_multiple %mul3A_5, 8 : i32
    %lt3A = arith.constant 15 : i32
    %lt3A_6 = arith.cmpi slt, %arg1, %lt3A : i32
    %convert_element_type3A = arith.extui %lt3A_6 : i1 to i32
    %cond3A = arith.constant 0 : i32
    %cond3A_7 = arith.cmpi ne, %convert_element_type3A, %cond3A : i32
    scf.if %cond3A_7 {
      "tpu.region"() ({
        %run_scoped3A = tpu.sem_alloc : memref<!tpu.dma_semaphore, #tpu.memory_space<semaphore_mem>>
        %dma_start3A = arith.constant 0 : i32
        %dma_start3A_37 = tpu.memref_slice %arg5[%multiple_of3A, %dma_start3A] : memref<10000x128xf32, #tpu.memory_space<vmem_shared>> -> memref<632x128xf32, #tpu.memory_space<vmem_shared>>
        %dma_start3A_38 = arith.constant 0 : i32
        %dma_start3A_39 = tpu.memref_slice %arg2[%multiple_of3A, %dma_start3A_38] : memref<10000x128xf32, #tpu.memory_space<hbm>> -> memref<632x128xf32, #tpu.memory_space<hbm>>
        tpu.enqueue_dma source(%dma_start3A_39 : memref<632x128xf32, #tpu.memory_space<hbm>>) target(%dma_start3A_37 : memref<632x128xf32, #tpu.memory_space<vmem_shared>>) target_semaphore(%run_scoped3A : memref<!tpu.dma_semaphore, #tpu.memory_space<semaphore_mem>>)
        %dma_wait3A = arith.constant 0 : i32
        %dma_wait3A_40 = tpu.memref_slice %arg5[%multiple_of3A, %dma_wait3A] : memref<10000x128xf32, #tpu.memory_space<vmem_shared>> -> memref<632x128xf32, #tpu.memory_space<vmem_shared>>
        %dma_wait3A_41 = arith.constant 0 : i32
        %dma_wait3A_42 = tpu.memref_slice %arg2[%multiple_of3A, %dma_wait3A_41] : memref<10000x128xf32, #tpu.memory_space<hbm>> -> memref<632x128xf32, #tpu.memory_space<hbm>>
        tpu.wait_dma2 semaphore(%run_scoped3A : memref<!tpu.dma_semaphore, #tpu.memory_space<semaphore_mem>>) src(%dma_wait3A_42 : memref<632x128xf32, #tpu.memory_space<hbm>>) dst(%dma_wait3A_40 : memref<632x128xf32, #tpu.memory_space<vmem_shared>>)
        tpu.yield
      }) : () -> ()
    } else {
    }
    %eq3A = arith.constant 15 : i32
    %eq3A_8 = arith.cmpi eq, %arg1, %eq3A : i32
    %convert_element_type3A_9 = arith.extui %eq3A_8 : i1 to i32
    %cond3A_10 = arith.constant 0 : i32
    %cond3A_11 = arith.cmpi ne, %convert_element_type3A_9, %cond3A_10 : i32
    scf.if %cond3A_11 {
      "tpu.region"() ({
        %run_scoped3A = tpu.sem_alloc : memref<!tpu.dma_semaphore, #tpu.memory_space<semaphore_mem>>
        %dma_start3A = arith.constant 0 : i32
        %dma_start3A_37 = tpu.memref_slice %arg5[%multiple_of3A, %dma_start3A] : memref<10000x128xf32, #tpu.memory_space<vmem_shared>> -> memref<520x128xf32, #tpu.memory_space<vmem_shared>>
        %dma_start3A_38 = arith.constant 0 : i32
        %dma_start3A_39 = tpu.memref_slice %arg2[%multiple_of3A, %dma_start3A_38] : memref<10000x128xf32, #tpu.memory_space<hbm>> -> memref<520x128xf32, #tpu.memory_space<hbm>>
        tpu.enqueue_dma source(%dma_start3A_39 : memref<520x128xf32, #tpu.memory_space<hbm>>) target(%dma_start3A_37 : memref<520x128xf32, #tpu.memory_space<vmem_shared>>) target_semaphore(%run_scoped3A : memref<!tpu.dma_semaphore, #tpu.memory_space<semaphore_mem>>)
        %dma_wait3A = arith.constant 0 : i32
        %dma_wait3A_40 = tpu.memref_slice %arg5[%multiple_of3A, %dma_wait3A] : memref<10000x128xf32, #tpu.memory_space<vmem_shared>> -> memref<520x128xf32, #tpu.memory_space<vmem_shared>>
        %dma_wait3A_41 = arith.constant 0 : i32
        %dma_wait3A_42 = tpu.memref_slice %arg2[%multiple_of3A, %dma_wait3A_41] : memref<10000x128xf32, #tpu.memory_space<hbm>> -> memref<520x128xf32, #tpu.memory_space<hbm>>
        tpu.wait_dma2 semaphore(%run_scoped3A : memref<!tpu.dma_semaphore, #tpu.memory_space<semaphore_mem>>) src(%dma_wait3A_42 : memref<520x128xf32, #tpu.memory_space<hbm>>) dst(%dma_wait3A_40 : memref<520x128xf32, #tpu.memory_space<vmem_shared>>)
        tpu.yield
      }) : () -> ()
    } else {
    }
    %mul3A_12 = arith.constant 16 : i32
    %mul3A_13 = arith.muli %arg0, %mul3A_12 : i32
    %add3A = arith.addi %mul3A_13, %arg1 : i32
    %mul3A_14 = arith.constant 40 : i32
    %mul3A_15 = arith.muli %add3A, %mul3A_14 : i32
    %multiple_of3A_16 = tpu.assume_multiple %mul3A_15, 8 : i32
    "tpu.region"() ({
      %run_scoped3A = tpu.sem_alloc : memref<!tpu.dma_semaphore, #tpu.memory_space<semaphore_mem>>
      %dma_start3A = arith.constant 0 : i32
      %dma_start3A_37 = tpu.memref_slice %arg3[%multiple_of3A_16, %dma_start3A] : memref<1280x125xi32, #tpu.memory_space<hbm>> -> memref<40x125xi32, #tpu.memory_space<hbm>>
      %dma_start3A_38 = arith.constant 0 : i32
      %dma_start3A_39 = tpu.memref_slice %arg3[%multiple_of3A_16, %dma_start3A_38] : memref<1280x125xi32, #tpu.memory_space<hbm>> -> memref<40x125xi32, #tpu.memory_space<hbm>>
      tpu.enqueue_dma source(%dma_start3A_39 : memref<40x125xi32, #tpu.memory_space<hbm>>) target(%arg6 : memref<40x125xi32, #tpu.memory_space<vmem>>) target_semaphore(%run_scoped3A : memref<!tpu.dma_semaphore, #tpu.memory_space<semaphore_mem>>)
      %dma_wait3A = arith.constant 0 : i32
      %dma_wait3A_40 = tpu.memref_slice %arg3[%multiple_of3A_16, %dma_wait3A] : memref<1280x125xi32, #tpu.memory_space<hbm>> -> memref<40x125xi32, #tpu.memory_space<hbm>>
      %dma_wait3A_41 = arith.constant 0 : i32
      %dma_wait3A_42 = tpu.memref_slice %arg3[%multiple_of3A_16, %dma_wait3A_41] : memref<1280x125xi32, #tpu.memory_space<hbm>> -> memref<40x125xi32, #tpu.memory_space<hbm>>
      tpu.wait_dma2 semaphore(%run_scoped3A : memref<!tpu.dma_semaphore, #tpu.memory_space<semaphore_mem>>) src(%dma_wait3A_42 : memref<40x125xi32, #tpu.memory_space<hbm>>) dst(%arg6 : memref<40x125xi32, #tpu.memory_space<vmem>>)
      tpu.yield
    }) : () -> ()
    %barrier3A = arith.constant 0 : index
    tpu.barrier barrier_id(%barrier3A)
    %scan3A_17 = arith.constant 0 : i32
    %scan3A_18 = arith.constant 0 : i32
    %scan3A_19 = arith.constant 40 : i32
    %scan3A_20 = arith.addi %scan3A_18, %scan3A_19 : i32
    %scan3A_21 = arith.constant 1 : i32
    scf.for %scan3A_37 = %scan3A_18 to %scan3A_20 step %scan3A_21  : i32 {
      "tpu.region"() ({
        %run_scoped3A = tpu.sem_alloc : memref<!tpu.dma_semaphore, #tpu.memory_space<semaphore_mem>>
        %dma_start3A = arith.constant 0 : i32
        %dma_start3A_38 = tpu.memref_slice %arg6[%scan3A_37, %dma_start3A] : memref<40x125xi32, #tpu.memory_space<vmem>> -> memref<1x125xi32, #tpu.memory_space<vmem>>
        %dma_start3A_39 = tpu.memref_squeeze %dma_start3A_38 : memref<1x125xi32, #tpu.memory_space<vmem>> -> memref<125xi32, #tpu.memory_space<vmem>>
        %dma_start3A_40 = arith.constant 0 : i32
        %dma_start3A_41 = arith.constant 0 : i32
        %dma_start3A_42 = tpu.memref_slice %arg5[%dma_start3A_40, %dma_start3A_41] : memref<10000x128xf32, #tpu.memory_space<vmem_shared>> -> memref<10000x128xf32, #tpu.memory_space<vmem_shared>>
        tpu.enqueue_indirect_dma source(%arg7 : memref<125x128xf32, #tpu.memory_space<vmem>>) target(%dma_start3A_42 : memref<10000x128xf32, #tpu.memory_space<vmem_shared>>) offsets(%dma_start3A_39 : memref<125xi32, #tpu.memory_space<vmem>>) semaphore(%run_scoped3A : memref<!tpu.dma_semaphore, #tpu.memory_space<semaphore_mem>>) {add = true}
        %dma_wait3A = arith.constant 0 : i32
        %dma_wait3A_43 = tpu.memref_slice %arg6[%scan3A_37, %dma_wait3A] : memref<40x125xi32, #tpu.memory_space<vmem>> -> memref<1x125xi32, #tpu.memory_space<vmem>>
        %dma_wait3A_44 = tpu.memref_squeeze %dma_wait3A_43 : memref<1x125xi32, #tpu.memory_space<vmem>> -> memref<125xi32, #tpu.memory_space<vmem>>
        %dma_wait3A_45 = arith.constant 0 : i32
        %dma_wait3A_46 = arith.constant 0 : i32
        %dma_wait3A_47 = tpu.memref_slice %arg5[%dma_wait3A_45, %dma_wait3A_46] : memref<10000x128xf32, #tpu.memory_space<vmem_shared>> -> memref<10000x128xf32, #tpu.memory_space<vmem_shared>>
        tpu.wait_indirect_dma semaphore(%run_scoped3A : memref<!tpu.dma_semaphore, #tpu.memory_space<semaphore_mem>>) src(%arg7 : memref<125x128xf32, #tpu.memory_space<vmem>>) dst(%dma_wait3A_47 : memref<10000x128xf32, #tpu.memory_space<vmem_shared>>)
        tpu.yield
      }) : () -> ()
    }
    %scan3A_22 = arith.constant 40 : i32
    %barrier3A_23 = arith.constant 0 : index
    tpu.barrier barrier_id(%barrier3A_23)
    %mul3A_24 = arith.constant 632 : i32
    %mul3A_25 = arith.muli %arg1, %mul3A_24 : i32
    %multiple_of3A_26 = tpu.assume_multiple %mul3A_25, 8 : i32
    %lt3A_27 = arith.constant 15 : i32
    %lt3A_28 = arith.cmpi slt, %arg1, %lt3A_27 : i32
    %convert_element_type3A_29 = arith.extui %lt3A_28 : i1 to i32
    %cond3A_30 = arith.constant 0 : i32
    %cond3A_31 = arith.cmpi ne, %convert_element_type3A_29, %cond3A_30 : i32
    scf.if %cond3A_31 {
      %mul3A_37 = arith.constant 10000 : i32
      %mul3A_38 = arith.muli %arg0, %mul3A_37 : i32
      %multiple_of3A_39 = tpu.assume_multiple %mul3A_38, 8 : i32
      %add3A_40 = arith.addi %multiple_of3A_39, %multiple_of3A_26 : i32
      "tpu.region"() ({
        %run_scoped3A = tpu.sem_alloc : memref<!tpu.dma_semaphore, #tpu.memory_space<semaphore_mem>>
        %dma_start3A = arith.constant 0 : i32
        %dma_start3A_41 = tpu.memref_slice %arg4[%add3A_40, %dma_start3A] : memref<20000x128xf32, #tpu.memory_space<hbm>> -> memref<632x128xf32, #tpu.memory_space<hbm>>
        %dma_start3A_42 = arith.constant 0 : i32
        %dma_start3A_43 = tpu.memref_slice %arg5[%multiple_of3A_26, %dma_start3A_42] : memref<10000x128xf32, #tpu.memory_space<vmem_shared>> -> memref<632x128xf32, #tpu.memory_space<vmem_shared>>
        tpu.enqueue_dma source(%dma_start3A_43 : memref<632x128xf32, #tpu.memory_space<vmem_shared>>) target(%dma_start3A_41 : memref<632x128xf32, #tpu.memory_space<hbm>>) target_semaphore(%run_scoped3A : memref<!tpu.dma_semaphore, #tpu.memory_space<semaphore_mem>>)
        %dma_wait3A = arith.constant 0 : i32
        %dma_wait3A_44 = tpu.memref_slice %arg4[%add3A_40, %dma_wait3A] : memref<20000x128xf32, #tpu.memory_space<hbm>> -> memref<632x128xf32, #tpu.memory_space<hbm>>
        %dma_wait3A_45 = arith.constant 0 : i32
        %dma_wait3A_46 = tpu.memref_slice %arg5[%multiple_of3A_26, %dma_wait3A_45] : memref<10000x128xf32, #tpu.memory_space<vmem_shared>> -> memref<632x128xf32, #tpu.memory_space<vmem_shared>>
        tpu.wait_dma2 semaphore(%run_scoped3A : memref<!tpu.dma_semaphore, #tpu.memory_space<semaphore_mem>>) src(%dma_wait3A_46 : memref<632x128xf32, #tpu.memory_space<vmem_shared>>) dst(%dma_wait3A_44 : memref<632x128xf32, #tpu.memory_space<hbm>>)
        tpu.yield
      }) : () -> ()
    } else {
    }
    %eq3A_32 = arith.constant 15 : i32
    %eq3A_33 = arith.cmpi eq, %arg1, %eq3A_32 : i32
    %convert_element_type3A_34 = arith.extui %eq3A_33 : i1 to i32
    %cond3A_35 = arith.constant 0 : i32
    %cond3A_36 = arith.cmpi ne, %convert_element_type3A_34, %cond3A_35 : i32
    scf.if %cond3A_36 {
      %mul3A_37 = arith.constant 10000 : i32
      %mul3A_38 = arith.muli %arg0, %mul3A_37 : i32
      %multiple_of3A_39 = tpu.assume_multiple %mul3A_38, 8 : i32
      %add3A_40 = arith.addi %multiple_of3A_39, %multiple_of3A_26 : i32
      "tpu.region"() ({
        %run_scoped3A = tpu.sem_alloc : memref<!tpu.dma_semaphore, #tpu.memory_space<semaphore_mem>>
        %dma_start3A = arith.constant 0 : i32
        %dma_start3A_41 = tpu.memref_slice %arg4[%add3A_40, %dma_start3A] : memref<20000x128xf32, #tpu.memory_space<hbm>> -> memref<520x128xf32, #tpu.memory_space<hbm>>
        %dma_start3A_42 = arith.constant 0 : i32
        %dma_start3A_43 = tpu.memref_slice %arg5[%multiple_of3A_26, %dma_start3A_42] : memref<10000x128xf32, #tpu.memory_space<vmem_shared>> -> memref<520x128xf32, #tpu.memory_space<vmem_shared>>
        tpu.enqueue_dma source(%dma_start3A_43 : memref<520x128xf32, #tpu.memory_space<vmem_shared>>) target(%dma_start3A_41 : memref<520x128xf32, #tpu.memory_space<hbm>>) target_semaphore(%run_scoped3A : memref<!tpu.dma_semaphore, #tpu.memory_space<semaphore_mem>>)
        %dma_wait3A = arith.constant 0 : i32
        %dma_wait3A_44 = tpu.memref_slice %arg4[%add3A_40, %dma_wait3A] : memref<20000x128xf32, #tpu.memory_space<hbm>> -> memref<520x128xf32, #tpu.memory_space<hbm>>
        %dma_wait3A_45 = arith.constant 0 : i32
        %dma_wait3A_46 = tpu.memref_slice %arg5[%multiple_of3A_26, %dma_wait3A_45] : memref<10000x128xf32, #tpu.memory_space<vmem_shared>> -> memref<520x128xf32, #tpu.memory_space<vmem_shared>>
        tpu.wait_dma2 semaphore(%run_scoped3A : memref<!tpu.dma_semaphore, #tpu.memory_space<semaphore_mem>>) src(%dma_wait3A_46 : memref<520x128xf32, #tpu.memory_space<vmem_shared>>) dst(%dma_wait3A_44 : memref<520x128xf32, #tpu.memory_space<hbm>>)
        tpu.yield
      }) : () -> ()
    } else {
    }
    return
  }
}

module attributes {stable_mosaic.version = 14 : i64} {
  func.func @_mm_body(%arg0: i32, %arg1: memref<1000x256xf32, #tpu.memory_space<vmem>>, %arg2: memref<256x256xf32, #tpu.memory_space<vmem>>, %arg3: memref<1000x256xf32, #tpu.memory_space<vmem>>) attributes {dimension_semantics = [#tpu.dimension_semantics<arbitrary>], iteration_bounds = array<i64: 10>, scalar_prefetch = 0 : i64, scratch_operands = 0 : i64, tpu.core_type = #tpu.core_type<tc>, window_params = [{transform_indices = @transform_0, window_bounds = array<i64: 1000, 256>}, {pipeline_mode = #tpu.pipeline_mode<synchronous>, transform_indices = @transform_1, window_bounds = array<i64: 256, 256>}, {transform_indices = @transform_2, window_bounds = array<i64: 1000, 256>}]} {
    %get3A = arith.constant 0 : index
    %get3A_0 = arith.constant 0 : index
    %get3A_1 = vector.load %arg1[%get3A, %get3A_0] : memref<1000x256xf32, #tpu.memory_space<vmem>>, vector<1000x256xf32>
    %get3A_2 = arith.constant 0 : index
    %get3A_3 = arith.constant 0 : index
    %get3A_4 = vector.load %arg2[%get3A_2, %get3A_3] : memref<256x256xf32, #tpu.memory_space<vmem>>, vector<256x256xf32>
    %dot_general3A = arith.constant dense<0.000000e+00> : vector<1000x256xf32>
    %dot_general3A_5 = tpu.matmul %get3A_1, %get3A_4, %dot_general3A {dimension_numbers = #tpu.dot_dimension_numbers<[1], [0], [0], [1], [0, 0, 1, 1], [], []>, transpose_lhs_hint = false} : vector<1000x256xf32>, vector<256x256xf32>, vector<1000x256xf32> -> vector<1000x256xf32>
    %swap3A = arith.constant 0 : index
    %swap3A_6 = arith.constant 0 : index
    %swap3A_7 = vector.load %arg3[%swap3A, %swap3A_6] : memref<1000x256xf32, #tpu.memory_space<vmem>>, vector<1000x256xf32>
    tpu.vector_store %arg3[%swap3A, %swap3A_6], %dot_general3A_5 {strides = array<i32>} : memref<1000x256xf32, #tpu.memory_space<vmem>>, vector<1000x256xf32>,
    return
  }
  func.func @transform_0(%arg0: i32) -> (i32, i32) {
    %c0_i32 = arith.constant 0 : i32
    %c0_i32_0 = arith.constant 0 : i32
    return %arg0, %c0_i32 : i32, i32
  }
  func.func @transform_1(%arg0: i32) -> (i32, i32) {
    %c0_i32 = arith.constant 0 : i32
    %c0_i32_0 = arith.constant 0 : i32
    %c0_i32_1 = arith.constant 0 : i32
    return %c0_i32, %c0_i32_0 : i32, i32
  }
  func.func @transform_2(%arg0: i32) -> (i32, i32) {
    %c0_i32 = arith.constant 0 : i32
    %c0_i32_0 = arith.constant 0 : i32
    return %arg0, %c0_i32 : i32, i32
  }
}

module attributes {stable_mosaic.version = 14 : i64} {
  func.func @_scale_body(%arg0: i32, %arg1: memref<1000x256xf32, #tpu.memory_space<vmem>>, %arg2: memref<1000x128xf32, #tpu.memory_space<vmem>>, %arg3: memref<1000x128xf32, #tpu.memory_space<vmem>>, %arg4: memref<2x1000x128xf32, #tpu.memory_space<vmem>>, %arg5: memref<1000x1xf32, #tpu.memory_space<vmem>>) attributes {dimension_semantics = [#tpu.dimension_semantics<arbitrary>], iteration_bounds = array<i64: 10>, scalar_prefetch = 0 : i64, scratch_operands = 0 : i64, tpu.core_type = #tpu.core_type<tc>, window_params = [{transform_indices = @transform_0, window_bounds = array<i64: 1000, 256>}, {transform_indices = @transform_1, window_bounds = array<i64: 1000, 128>}, {transform_indices = @transform_2, window_bounds = array<i64: 1000, 128>}, {transform_indices = @transform_3, window_bounds = array<i64: 2, 1000, 128>}, {transform_indices = @transform_4, window_bounds = array<i64: 1000, 1>}]} {
    %get3A = arith.constant 0 : index
    %get3A_0 = arith.constant 0 : index
    %get3A_1 = vector.load %arg2[%get3A, %get3A_0] : memref<1000x128xf32, #tpu.memory_space<vmem>>, vector<1000x1xf32>
    %get3A_2 = vector.shape_cast %get3A_1 : vector<1000x1xf32> to vector<1000xf32>
    %get3A_3 = arith.constant 0 : index
    %get3A_4 = arith.constant 0 : index
    %get3A_5 = vector.load %arg3[%get3A_3, %get3A_4] : memref<1000x128xf32, #tpu.memory_space<vmem>>, vector<1000x1xf32>
    %get3A_6 = vector.shape_cast %get3A_5 : vector<1000x1xf32> to vector<1000xf32>
    %add3A = arith.addf %get3A_2, %get3A_6 : vector<1000xf32>
    %add3A_7 = arith.constant 1.000000e+00 : f32
    %add3A_8 = vector.broadcast %add3A_7 : f32 to vector<1000xf32>
    %add3A_9 = arith.addf %add3A, %add3A_8 : vector<1000xf32>
    %rsqrt3A = math.rsqrt %add3A_9 : vector<1000xf32>
    %get3A_10 = arith.constant 0 : index
    %get3A_11 = arith.constant 0 : index
    %get3A_12 = vector.load %arg1[%get3A_10, %get3A_11] : memref<1000x256xf32, #tpu.memory_space<vmem>>, vector<1000x256xf32>
    %broadcast_in_dim3A = vector.shape_cast %rsqrt3A : vector<1000xf32> to vector<1000x1xf32>
    %mul3A = vector.broadcast %broadcast_in_dim3A : vector<1000x1xf32> to vector<1000x256xf32>
    %mul3A_13 = arith.mulf %get3A_12, %mul3A : vector<1000x256xf32>
    %slice3A = vector.extract_strided_slice %mul3A_13 {offsets = [0, 0], sizes = [1000, 128], strides = [1, 1]} : vector<1000x256xf32> to vector<1000x128xf32>
    %swap3A = arith.constant 0 : index
    %swap3A_14 = arith.constant 0 : index
    %swap3A_15 = arith.constant 0 : index
    %swap3A_16 = vector.load %arg4[%swap3A, %swap3A_14, %swap3A_15] : memref<2x1000x128xf32, #tpu.memory_space<vmem>>, vector<1x1000x128xf32>
    %swap3A_17 = vector.shape_cast %swap3A_16 : vector<1x1000x128xf32> to vector<1000x128xf32>
    %swap3A_18 = vector.shape_cast %slice3A : vector<1000x128xf32> to vector<1x1000x128xf32>
    tpu.vector_store %arg4[%swap3A, %swap3A_14, %swap3A_15], %swap3A_18 {strides = array<i32>} : memref<2x1000x128xf32, #tpu.memory_space<vmem>>, vector<1x1000x128xf32>,
    %slice3A_19 = vector.extract_strided_slice %mul3A_13 {offsets = [0, 128], sizes = [1000, 128], strides = [1, 1]} : vector<1000x256xf32> to vector<1000x128xf32>
    %swap3A_20 = arith.constant 1 : index
    %swap3A_21 = arith.constant 0 : index
    %swap3A_22 = arith.constant 0 : index
    %swap3A_23 = vector.load %arg4[%swap3A_20, %swap3A_21, %swap3A_22] : memref<2x1000x128xf32, #tpu.memory_space<vmem>>, vector<1x1000x128xf32>
    %swap3A_24 = vector.shape_cast %swap3A_23 : vector<1x1000x128xf32> to vector<1000x128xf32>
    %swap3A_25 = vector.shape_cast %slice3A_19 : vector<1000x128xf32> to vector<1x1000x128xf32>
    tpu.vector_store %arg4[%swap3A_20, %swap3A_21, %swap3A_22], %swap3A_25 {strides = array<i32>} : memref<2x1000x128xf32, #tpu.memory_space<vmem>>, vector<1x1000x128xf32>,
    %broadcast_in_dim3A_26 = vector.shape_cast %rsqrt3A : vector<1000xf32> to vector<1000x1xf32>
    %swap3A_27 = arith.constant 0 : index
    %swap3A_28 = arith.constant 0 : index
    %swap3A_29 = vector.load %arg5[%swap3A_27, %swap3A_28] : memref<1000x1xf32, #tpu.memory_space<vmem>>, vector<1000x1xf32>
    tpu.vector_store %arg5[%swap3A_27, %swap3A_28], %broadcast_in_dim3A_26 {strides = array<i32>} : memref<1000x1xf32, #tpu.memory_space<vmem>>, vector<1000x1xf32>,
    return
  }
  func.func @transform_0(%arg0: i32) -> (i32, i32) {
    %c0_i32 = arith.constant 0 : i32
    %c0_i32_0 = arith.constant 0 : i32
    return %arg0, %c0_i32 : i32, i32
  }
  func.func @transform_1(%arg0: i32) -> (i32, i32) {
    %c0_i32 = arith.constant 0 : i32
    %c0_i32_0 = arith.constant 0 : i32
    return %arg0, %c0_i32 : i32, i32
  }
  func.func @transform_2(%arg0: i32) -> (i32, i32) {
    %add3A = arith.constant 10 : i32
    %add3A_0 = arith.addi %arg0, %add3A : i32
    %c0_i32 = arith.constant 0 : i32
    %c0_i32_1 = arith.constant 0 : i32
    return %add3A_0, %c0_i32 : i32, i32
  }
  func.func @transform_3(%arg0: i32) -> (i32, i32, i32) {
    %c0_i32 = arith.constant 0 : i32
    %c0_i32_0 = arith.constant 0 : i32
    %c0_i32_1 = arith.constant 0 : i32
    return %c0_i32, %arg0, %c0_i32_0 : i32, i32, i32
  }
  func.func @transform_4(%arg0: i32) -> (i32, i32) {
    %c0_i32 = arith.constant 0 : i32
    %c0_i32_0 = arith.constant 0 : i32
    return %arg0, %c0_i32 : i32, i32
  }
}

module attributes {stable_mosaic.version = 14 : i64} {
  func.func @_fin_body(%arg0: i32, %arg1: memref<2x1000x128xf32, #tpu.memory_space<vmem>>, %arg2: memref<1000x1xf32, #tpu.memory_space<vmem>>, %arg3: memref<1x256xf32, #tpu.memory_space<vmem>>, %arg4: memref<1000x256xf32, #tpu.memory_space<vmem>>) attributes {dimension_semantics = [#tpu.dimension_semantics<arbitrary>], iteration_bounds = array<i64: 10>, scalar_prefetch = 0 : i64, scratch_operands = 0 : i64, tpu.core_type = #tpu.core_type<tc>, window_params = [{transform_indices = @transform_0, window_bounds = array<i64: 2, 1000, 128>}, {transform_indices = @transform_1, window_bounds = array<i64: 1000, 1>}, {pipeline_mode = #tpu.pipeline_mode<synchronous>, transform_indices = @transform_2, window_bounds = array<i64: 1, 256>}, {transform_indices = @transform_3, window_bounds = array<i64: 1000, 256>}]} {
    %get3A = arith.constant 0 : index
    %get3A_0 = arith.constant 0 : index
    %get3A_1 = arith.constant 0 : index
    %get3A_2 = vector.load %arg1[%get3A, %get3A_0, %get3A_1] : memref<2x1000x128xf32, #tpu.memory_space<vmem>>, vector<1x1000x128xf32>
    %get3A_3 = vector.shape_cast %get3A_2 : vector<1x1000x128xf32> to vector<1000x128xf32>
    %get3A_4 = arith.constant 1 : index
    %get3A_5 = arith.constant 0 : index
    %get3A_6 = arith.constant 0 : index
    %get3A_7 = vector.load %arg1[%get3A_4, %get3A_5, %get3A_6] : memref<2x1000x128xf32, #tpu.memory_space<vmem>>, vector<1x1000x128xf32>
    %get3A_8 = vector.shape_cast %get3A_7 : vector<1x1000x128xf32> to vector<1000x128xf32>
    %concatenate3A = tpu.concatenate %get3A_3, %get3A_8 in 1 : vector<1000x128xf32>, vector<1000x128xf32> -> vector<1000x256xf32>
    %get3A_9 = arith.constant 0 : index
    %get3A_10 = arith.constant 0 : index
    %get3A_11 = vector.load %arg2[%get3A_9, %get3A_10] : memref<1000x1xf32, #tpu.memory_space<vmem>>, vector<1000x1xf32>
    %mul3A = vector.broadcast %get3A_11 : vector<1000x1xf32> to vector<1000x256xf32>
    %mul3A_12 = arith.mulf %concatenate3A, %mul3A : vector<1000x256xf32>
    %get3A_13 = arith.constant 0 : index
    %get3A_14 = arith.constant 0 : index
    %get3A_15 = vector.load %arg3[%get3A_13, %get3A_14] : memref<1x256xf32, #tpu.memory_space<vmem>>, vector<1x256xf32>
    %add3A = vector.broadcast %get3A_15 : vector<1x256xf32> to vector<1000x256xf32>
    %add3A_16 = arith.addf %mul3A_12, %add3A : vector<1000x256xf32>
    %max3A = arith.constant 0.000000e+00 : f32
    %max3A_17 = vector.broadcast %max3A : f32 to vector<1000x256xf32>
    %max3A_18 = arith.maximumf %add3A_16, %max3A_17 : vector<1000x256xf32>
    %swap3A = arith.constant 0 : index
    %swap3A_19 = arith.constant 0 : index
    %swap3A_20 = vector.load %arg4[%swap3A, %swap3A_19] : memref<1000x256xf32, #tpu.memory_space<vmem>>, vector<1000x256xf32>
    tpu.vector_store %arg4[%swap3A, %swap3A_19], %max3A_18 {strides = array<i32>} : memref<1000x256xf32, #tpu.memory_space<vmem>>, vector<1000x256xf32>,
    return
  }
  func.func @transform_0(%arg0: i32) -> (i32, i32, i32) {
    %c0_i32 = arith.constant 0 : i32
    %c0_i32_0 = arith.constant 0 : i32
    %c0_i32_1 = arith.constant 0 : i32
    return %c0_i32, %arg0, %c0_i32_0 : i32, i32, i32
  }
  func.func @transform_1(%arg0: i32) -> (i32, i32) {
    %c0_i32 = arith.constant 0 : i32
    %c0_i32_0 = arith.constant 0 : i32
    return %arg0, %c0_i32 : i32, i32
  }
  func.func @transform_2(%arg0: i32) -> (i32, i32) {
    %c0_i32 = arith.constant 0 : i32
    %c0_i32_0 = arith.constant 0 : i32
    %c0_i32_1 = arith.constant 0 : i32
    return %c0_i32, %c0_i32_0 : i32, i32
  }
  func.func @transform_3(%arg0: i32) -> (i32, i32) {
    %c0_i32 = arith.constant 0 : i32
    %c0_i32_0 = arith.constant 0 : i32
    return %arg0, %c0_i32 : i32, i32
  }
}

</mosaic_0001>

<sc_bundles>
// kernel: kernel.10.cloned.1.call-start
scs
__scs_entry_jumppad:
0x0: {  	(pc) =	sbr.rel $0x88, $3  }
0x1: {  	(tag) =	ssettag $0x0;
	lr =	simm.s32 $0x1  }
0x2: {  	[smem:$0x3F9D] =	sst lr;
	_ =	strace $0xD0000000  }
0x3: {  	_ = 	snop  }
0x4: {  	_ = 	snop  }
0x5: {  	_ = 	snop  }
0x6: {  	_ = 	snop  }
0x7: {  	_ = 	snop  }
__scs_overlays_trampoline_lowered:
0x8: {  	[smem:$0x3FAC] =	sst s0  }
0x9: {  	[smem:$0x3FAD] =	sst s1  }
0xa: {  	[smem:$0x3FAE] =	sst s2  }
0xb: {  	[smem:$0x3FAF] =	sst s3  }
0xc: {  	[smem:$0x3FB0] =	sst s4  }
0xd: {  	[smem:$0x3FB1] =	sst s5  }
0xe: {  	[smem:$0x3FB2] =	sst s6  }
0xf: {  	[smem:$0x3FB3] =	sst s7  }
0x10: {  	[smem:$0x3FB4] =	sst s8  }
0x11: {  	[smem:$0x3FB5] =	sst s9;
	s0 =	simm.s32 @!p0 $0x0  }
0x12: {  	s1 =	sld [smem:$0x3F9B];
	s0 =	simm.s32 @p0 $0x1  }
0x13: {  	[smem:$0x3FB6] =	sst s0;
	s0 =	simm.s32 @!p1 $0x0  }
0x14: {  	s2 =	sld [smem:$0x3F9A];
	s0 =	simm.s32 @p1 $0x1  }
0x15: {  	[smem:$0x3FB7] =	sst s0;
	s0 =	simm.s32 @!p2 $0x0  }
0x16: {  	s3 =	sld [smem:$0x3FDB];
	s0 =	simm.s32 @p2 $0x1  }
0x17: {  	s4 =	simm.s32 $0x1BF5;
	[smem:$0x3FB9] =	sst s0  }
0x18: {  	s0 =	sld [smem:$0x3F9C];
	_ =	swait.ge [sflag:s4], $0x0  }
0x19: {  	s7 =	sld [smem:$0x3F9D]  }
0x1a: {  	s8 =	sadd.s32 $0xFFFFE003, lr  }
0x1b: {  	s9 =	sadd.s32 $0xFFFFFEF7, lr;
	s5 =	simm.s32 $0xFFFFFFFF;
	p2 =	slt.u32 s8, $0xFFFFF086  }
0x1c: {  	p1 =	slt.u32 s9, $0xF7A;
	s5 =	simm.s32 @!p2 $0x0  }
0x1d: {  	s5 =	simm.s32 @p1 $0x1;
	p0 =	seq.s32 s7, s2  }
0x1e: {  	s7 =	smul.u32 @!p0 $0xF7A, s2;
	p2 =	seq.s32 @!p0 s5, $0x0  }
0x1f: {  	s9 =	smul.u32 $0xF7A, s1;
	s8 =	simm.s32 @!p0 $0x1BF5;
	p2 =	por !p2, p0  }
0x20: {  	[sflag:s8] =	ssyncset.s32 @!p0 $0xFFFFF086;
	s6 =	sadd.s32 @!p0 s3, s7;
	s7 =	simm.s32 @!p0 $0x108  }
0x21: {  	s3 =	sadd.s32 s3, s9;
	s6 =	sadd.s32 @!p0 $0x88, s6;
	s7 =	simm.s32 @p2 $0x1082  }
0x22: {  	[simem:s7], [sflag:s8] =	dma.local @!p0 [hbm:s6], $0xF7A  }
0x23: {  	s9 =	sor.u32 $0xD0000000, s2;
	s6 =	simm.s32 $0x108;
	_ =	swait.ge @!p0 [sflag:s8], $0x0  }
0x24: {  	s3 =	sadd.s32 $0x88, s3;
	s6 =	simm.s32 @!p1 $0x1082;
	[sflag:s4] =	ssyncset.s32 $0xFFFFF086  }
0x25: {  	[simem:s6], [sflag:s4] =	dma.local [hbm:s3], $0xF7A  }
0x26: {  	[smem:$0x3F9D] =	sst s1;
	(tag) =	ssettag s2;
	_ =	strace s9  }
0x27: {  	s1 =	sld [smem:$0x3FAD]  }
0x28: {  	s2 =	sld [smem:$0x3FAE]  }
0x29: {  	s4 =	sld [smem:$0x3FB0]  }
0x2a: {  	p0 =	seq.s32 s5, $0x0;
	s5 =	sld [smem:$0x3FB1]  }
0x2b: {  	s6 =	sld [smem:$0x3FB2]  }
0x2c: {  	s7 =	sld [smem:$0x3FB3]  }
0x2d: {  	s3 =	simm.s32 $0x108;
	s8 =	sld [smem:$0x3FB4]  }
0x2e: {  	s3 =	simm.s32 @!p0 $0x1082;
	s9 =	sld [smem:$0x3FB5]  }
0x2f: {  	lr =	sadd.s32 s0, s3;
	s0 =	sld [smem:$0x3FAC]  }
0x30: {  	s3 =	sld [smem:$0x3FAF]  }
0x31: {  	[smem:$0x3FB8] =	sst s10  }
0x32: {  	s10 =	sld [smem:$0x3FB6];
	_ =	sdelay $0x3  }
0x33: {  	p0 =	seq.s32 s10, $0x1;
	s10 =	sld [smem:$0x3FB8];
	_ =	sdelay $0x3  }
0x34: {  	[smem:$0x3FB8] =	sst s10  }
0x35: {  	s10 =	sld [smem:$0x3FB7];
	_ =	sdelay $0x3  }
0x36: {  	p1 =	seq.s32 s10, $0x1;
	s10 =	sld [smem:$0x3FB8];
	_ =	sdelay $0x3  }
0x37: {  	[smem:$0x3FB8] =	sst s10  }
0x38: {  	s10 =	sld [smem:$0x3FB9]  }
0x39: {  	_ = 	snop;
	(pc) =	sbr.ind lr, $3  }
0x3a: {  	_ = 	snop  }
0x3b: {  	_ = 	snop  }
0x3c: {  	p2 =	seq.s32 s10, $0x1;
	s10 =	sld [smem:$0x3FB8]  }
0x3d: {  	_ =	shalt  }
0x3e: {  	_ =	shalt  }
0x3f: {  	_ =	shalt  }
0x40: {  	_ =	shalt  }
0x41: {  	_ =	shalt  }
0x42: {  	_ =	shalt  }
0x43: {  	_ =	shalt  }
0x44: {  	_ =	shalt  }
0x45: {  	_ =	shalt  }
0x46: {  	_ =	shalt  }
0x47: {  	_ =	shalt  }
0x48: {  	_ =	shalt  }
0x49: {  	_ =	shalt  }
0x4a: {  	_ =	shalt  }
0x4b: {  	_ =	shalt  }
0x4c: {  	_ =	shalt  }
0x4d: {  	_ =	shalt  }
0x4e: {  	_ =	shalt  }
0x4f: {  	_ =	shalt  }
0x50: {  	_ =	shalt  }
0x51: {  	_ =	shalt  }
0x52: {  	_ =	shalt  }
0x53: {  	_ =	shalt  }
0x54: {  	_ =	shalt  }
0x55: {  	_ =	shalt  }
0x56: {  	_ =	shalt  }
0x57: {  	_ =	shalt  }
0x58: {  	_ =	shalt  }
0x59: {  	_ =	shalt  }
0x5a: {  	_ =	shalt  }
0x5b: {  	_ =	shalt  }
0x5c: {  	_ =	shalt  }
0x5d: {  	_ =	shalt  }
0x5e: {  	_ =	shalt  }
0x5f: {  	_ =	shalt  }
0x60: {  	_ =	shalt  }
0x61: {  	_ =	shalt  }
0x62: {  	_ =	shalt  }
0x63: {  	_ =	shalt  }
0x64: {  	_ =	shalt  }
0x65: {  	_ =	shalt  }
0x66: {  	_ =	shalt  }
0x67: {  	_ =	shalt  }
0x68: {  	_ =	shalt  }
0x69: {  	_ =	shalt  }
0x6a: {  	_ =	shalt  }
0x6b: {  	_ =	shalt  }
0x6c: {  	_ =	shalt  }
0x6d: {  	_ =	shalt  }
0x6e: {  	_ =	shalt  }
0x6f: {  	_ =	shalt  }
0x70: {  	_ =	shalt  }
0x71: {  	_ =	shalt  }
0x72: {  	_ =	shalt  }
0x73: {  	_ =	shalt  }
0x74: {  	_ =	shalt  }
0x75: {  	_ =	shalt  }
0x76: {  	_ =	shalt  }
0x77: {  	_ =	shalt  }
0x78: {  	_ =	shalt  }
0x79: {  	_ =	shalt  }
0x7a: {  	_ =	shalt  }
0x7b: {  	_ =	shalt  }
0x7c: {  	_ =	shalt  }
0x7d: {  	_ =	shalt  }
0x7e: {  	_ =	shalt  }
0x7f: {  	_ =	shalt  }
0x80: {  	_ =	shalt  }
0x81: {  	_ =	shalt  }
0x82: {  	_ =	shalt  }
0x83: {  	_ =	shalt  }
0x84: {  	_ =	shalt  }
0x85: {  	_ =	shalt  }
0x86: {  	_ =	shalt  }
0x87: {  	_ =	shalt  }
.Lfunc_end0:
.L_simem_size_0:
called_computation.1_lowered:
.L_overlay_start_0:
0x88: {  	s2 =	sld [smem:$0x3FD9]  }
0x89: {  	s3 =	sld [smem:$0x3FFE];
	_ =	sdelay $0x1  }
0x8a: {  	s1 =	srdreg.scid  }
0x8b: {  	s0 =	sand.u32 $0x1, s1  }
0x8c: {  	s17 =	sshll.u32 s0, $0xA;
	s2 =	sadd.s32 s3, s2  }
0x8d: {  	s2 =	sadd.s32 s2, s17  }
0x8e: {  	[smem:$0x3FC4] =	sst s2  }
0x8f: {  	_ = 	snop  }
0x90: {  	s2 =	sld [smem:$0x3FD0];
	(tm) =	ssettm $0x1  }
0x91: {  	s18 =	sld [smem:$0x3FFB];
	_ =	sdelay $0x3  }
0x92: {  	_ =	strace s18  }
0x93: {  	s3 =	sld [smem:$0x3FFC];
	_ =	sdelay $0x3  }
0x94: {  	_ =	strace s3  }
0x95: {  	s3 =	sld [smem:$0x3FFD];
	_ =	sdelay $0x3  }
0x96: {  	_ =	strace s3  }
0x97: {  	_ =	strace $0x8FFFFFFF  }
0x98: {  	s19 =	sld [smem:$0x3FDB];
	_ =	sdelay $0x1  }
0x99: {  	s4 =	simm.s32 $_scs_section_size  }
0x9a: {  	s5 =	simm.s32 $_size__tile_overlayer_lowered;
	s6 =	simm.s32 $_tile_overlayer_lowered  }
0x9b: {  	s22 =	simm.s32 $0x1BFF;
	s21 =	sshll.u32 s6, $0x1;
	s3 =	sadd.s32 s4, s19  }
0x9c: {  	s7 =	simm.s32 $0x0;
	s20 =	sshll.u32 s5, $0x1;
	s5 =	sadd.s32 s21, s3  }
0x9d: {  	[timem:s7], [sflag:s22] =	dma.local [hbm:s5], s20  }
0x9e: {  	_ =	swait.ge [sflag:s22], s20  }
0x9f: {  	s4 =	ssub.s32 $0x0, s20;
	[sflag:s22] =	ssyncset.done $0x0  }
0xa0: {  	[sflag:s22] =	ssyncadd.s32 s4;
	_ =	sdelay $0x1  }
0xa1: {  	s23 =	simm.s32 $0x1B8B  }
0xa2: {  	_ =	swait.ge [sflag:s23], $0x1  }
0xa3: {  	[sflag:s23] =	ssyncset.done $0x0  }
0xa4: {  	s25 =	simm.s32 $0x1B8E;
	s24 =	sld [smem:$0x3FFE];
	[sflag:s23] =	ssyncadd.s32 $0xFFFFFFFF  }
0xa5: {  	s26 =	simm.s32 $execute0_lowered;
	[smem:$0x3FD2] =	sst s25  }
0xa6: {  	s5 =	sshll.u32 s26, $0x1;
	_ =	strace $0x80000049;
	[dreg:$0x1] =	wrdreg $0xFFFFFFFF  }
0xa7: {  	s28 =	simm.s32 $_size_execute0_lowered;
	s3 =	sadd.s32 s3, s5;
	[dreg:$0x0] =	wrdreg $0x0  }
0xa8: {  	s5 =	sshll.u32 s28, $0x1;
	[dreg:$0x2] =	wrdreg s3  }
0xa9: {  	[dreg:$0x3] =	wrdreg s5  }
0xaa: {  	[dreg:$0x4] =	wrdreg $0xC0  }
0xab: {  	_ =	task [dreg:s7], $0x5FFFF  }
0xac: {  	[dreg:$0x1] =	wrdreg $0xFFFFFFFF  }
0xad: {  	[dreg:$0x0] =	wrdreg $0x60  }
0xae: {  	[dreg:$0x2] =	wrdreg s2  }
0xaf: {  	[dreg:$0x3] =	wrdreg s24  }
0xb0: {  	[dreg:$0x4] =	wrdreg $0x0  }
0xb1: {  	[dreg:$0x5] =	wrdreg $0x9  }
0xb2: {  	_ =	task.clear_ibuf [dreg:s7], $0x6FFFF;
	_ =	strace $0x90000049  }
0xb3: {  	s29 =	simm.s32 $0x9;
	_ =	strace $0x8000004B  }
0xb4: {  	_ =	swait.ge [sflag:s29], $0x1  }
0xb5: {  	[sflag:s29] =	ssyncadd.s32 $0xFFFFFFFF  }
0xb6: {  	_ =	strace $0x9000004B  }
0xb7: {  	_ =	sfence  }
0xb8: {  	s30 =	sld [smem:$0x0];
	_ =	sdelay $0x2  }
0xb9: {  	s31 =	sshll.u32 s1, $0xD;
	s1 =	sshrl.u32 s1, $0x2  }
0xba: {  	s3 =	sand.u32 $0x4000, s31;
	s1 =	sadd.s32 s1, s30  }
0xbb: {  	s0 =	sor.u32 s3, s0;
	s1 =	sshll.u32 s1, $0x11  }
0xbc: {  	s0 =	sor.u32 s1, s0  }
0xbd: {  	s0 =	sadd.s32 $0x8F2B, s0  }
0xbe: {  	[sflag:s0] =	ssyncadd.remote.s32 $0x1  }
0xbf: {  	_ =	sfence.sel $0xFFFF  }
0xc0: {  	[dreg:$0x0] =	wrdreg $0xFFFFFFFF;
	(pc) =	sbr.abs _section_cstart, $3  }
0xc1: {  	[dreg:$0x1] =	wrdreg $0xFFFFFFFF  }
0xc2: {  	_ =	task.clear_ibuf [dreg:s7], $0x2FFFF;
	_ =	strace $0x9FFFFFFF  }
0xc3: {  	(tm) =	ssettm $0x7FFFFFFF  }
tec
execute0_lowered:
.L_overlay_start_1:
0x0: {  	(tag) =	ssettag $0x1  }
0x1: {  	s1 =	rddreg [dreg:$0x0];
	s0 =	srdreg.scid  }
0x2: {  	s5 =	rddreg [dreg:$0x1];
	s6 =	sand.u32 $0x1, s0  }
0x3: {  	s0 =	stileid.u32;
	s7 =	smul.u32 $0x500, s6  }
0x4: {  	s3 =	rddreg [dreg:$0x2];
	s2 =	simm.s32 $0x0;
	s8 =	smul.u32 $0x50, s0  }
0x5: {  	s19 =	simm.s32 $0x14C80;
	s20 =	simm.s32 $0x7D;
	s23 =	smul.u32 $0x278, s0  }
0x6: {  	s21 =	simm.s32 $0x16080;
	s22 =	simm.s32 $0x1A080;
	s9 =	smul.u32 $0x4F000, s0  }
0x7: {  	s28 =	simm.s32 $0x16000;
	s29 =	simm.s32 $0x0;
	s11 =	smul.u32 $0x2710, s6  }
0x8: {  	[smem:$0x7FF] =	sst s2;
	s24 =	ssub.s32 $0x2, s6;
	s6 =	smul.u32 $0x138800, s6  }
0x9: {  	s12 =	sadd.s32 $0x1800, s5;
	s15 =	sadd.s32 $0x128400, s3;
	s26 =	smul.u32 $0x2800, s0  }
0xa: {  	s13 =	sadd.s32 $0x6800, s5;
	_ =	strace $0x8000004A;
	s30 =	smul.u32 $0x500, s0  }
0xb: {  	p0 =	seq.s32 s0, $0xF;
	s25 =	sshrl.u32 s24, $0x1;
	s7 =	sadd.s32 s8, s7  }
0xc: {  	s9 =	sshrl.u32 s9, $0x2;
	s8 =	sadd.s32 s23, s11;
	s14 =	ssub.s32 s24, s25  }
0xd: {  	s6 =	sshrl.u32 s6, $0x3;
	s18 =	sshrl.u32 s26, $0x3;
	s23 =	simm.s32 $0x1  }
0xe: {  	s24 =	simm.s32 $0x2;
	s25 =	simm.s32 $0x14C00;
	s26 =	simm.s32 $0x15F80  }
0xf: {  	s7 =	sshll.u32 s7, $0x4;
	s16 =	sadd.s32 s9, s3;
	s11 =	sshll.u32 s8, $0x4  }
0x10: {  	s17 =	sadd.s32 $0x25080, s6;
	s8 =	sadd.s32 s12, s30;
	s31 =	sadd.s32 s12, s18  }
0x11: {  	s18 =	simm.s32 $0x3;
	s10 =	sadd.s32 s7, s5;
	s5 =	sadd.s32 s1, s11  }
0x12: {  	s6 =	sadd.s32 s1, s17;
	s11 =	sadd.s32 s13, s11;
	s12 =	sadd.s32 s13, s17  }
0x13: {  	s13 =	smax.u32 s14, $0x1;
	s17 =	sshll.u32 @!p0 s0, $0x6;
	s14 =	sshrl.u32 @p0 s15, $0x3  }
0x14: {  	s16 =	sshrl.u32 @!p0 s16, $0x3;
	s7 =	sadd.s32 $0x7BC00, s10;
	s9 =	sadd.s32 $0x7BE80, s10  }
0x15: {  	s10 =	sadd.s32 $0x280, s31;
	s15 =	sor.u32 @!p0 $0x1C03, s17;
	s17 =	simm.s32 $0x13880  }
.LBB2_1:
0x16: {  	s30 =	simm.s32 @p0 $0x1FC3  }
0x17: {  	[spmem:s14], [sflag:s30] =	dma.local @p0 [hbm:s6], $0x2080  }
0x18: {  	s30 =	simm.s32 @p0 $0x3  }
0x19: {  	_ =	swait.ge @p0 [sflag:s30], $0x2080  }
0x1a: {  	[sflag:s30] =	ssyncset.done @p0 $0x0  }
0x1b: {  	[sflag:s30] =	ssyncadd.s32 @p0 $0xFFFFDF80;
	s30 =	simm.s32 @!p0 $0x3  }
0x1c: {  	[spmem:s16], [sflag:s15] =	dma.local @!p0 [hbm:s5], $0x2780  }
0x1d: {  	_ =	swait.ge @!p0 [sflag:s30], $0x2780  }
0x1e: {  	[sflag:s30] =	ssyncset.done @!p0 $0x0  }
0x1f: {  	[sflag:s30] =	ssyncadd.s32 @!p0 $0xFFFFD880  }
0x20: {  	s0 =	simm.s32 $0x0;
	[bflag:$0x0] =	sbarrier.arrive $0xFFFF  }
0x21: {  	[tilespmem:s17], [sflag:$0x3] =	stream.linear.gather [hbm4b:s7+s0], $0x1400, $0x38;
	[tilespmem:$0x1E080] =	vst v63  }
0x22: {  	_ =	swait.ge [sflag:s18], $0x1400  }
0x23: {  	[sflag:s18] =	ssyncset.done $0x0  }
0x24: {  	[sflag:s18] =	ssyncadd.s32 $0xFFFFEC00  }
0x25: {  	[tilespmem:s19], [sflag:$0x3] =	stream.linear.gather [hbm4b:s8+s0], $0x1400, $0x38;
	[tilespmem:$0x1E080] =	vst v63  }
0x26: {  	_ =	swait.ge [sflag:s18], $0x1400  }
0x27: {  	[sflag:s18] =	ssyncset.done $0x0  }
0x28: {  	[sflag:s18] =	ssyncadd.s32 $0xFFFFEC00  }
0x29: {  	[tilespmem:s21], [sflag:$0x1] =	stream.indirect.gather [hbm4b:s1+s20], $0x80, s17, s20, $0xb8;
	[tilespmem:$0x1E080] =	vst v63  }
0x2a: {  	s30 =	simm.s32 $0x13900  }
0x2b: {  	[tilespmem:s22], [sflag:$0x2] =	stream.indirect.gather [hbm4b:s1+s20], $0x80, s30, s20, $0xb8;
	[tilespmem:$0x1E080] =	vst v63  }
0x2c: {  	_ =	swait.ge [sflag:s23], $0x3E80  }
0x2d: {  	[sflag:s23] =	ssyncset.done $0x0  }
0x2e: {  	s30 =	simm.s32 $0x14C80;
	[sflag:s23] =	ssyncadd.s32 $0xFFFFC180  }
0x2f: {  	[spmem:s3] =	stream.indirect.scatter.add.f32 [tilespmem:s21], [sflag:$0x3], $0x80, s30, s20, $0xb8;
	[tilespmem:$0x1E080] =	vst v63  }
0x30: {  	_ =	swait.ge [sflag:s18], $0x3E80  }
0x31: {  	[sflag:s18] =	ssyncset.done $0x0  }
0x32: {  	s30 =	simm.s32 $0x13980;
	[sflag:s18] =	ssyncadd.s32 $0xFFFFC180  }
0x33: {  	[tilespmem:s21], [sflag:$0x1] =	stream.indirect.gather [hbm4b:s1+s20], $0x80, s30, s20, $0xb8;
	[tilespmem:$0x1E080] =	vst v63  }
0x34: {  	_ =	swait.ge [sflag:s24], $0x3E80  }
0x35: {  	[sflag:s24] =	ssyncset.done $0x0  }
0x36: {  	s30 =	simm.s32 $0x14D00;
	[sflag:s24] =	ssyncadd.s32 $0xFFFFC180  }
0x37: {  	[spmem:s3] =	stream.indirect.scatter.add.f32 [tilespmem:s22], [sflag:$0x3], $0x80, s30, s20, $0xb8;
	[tilespmem:$0x1E080] =	vst v63  }
0x38: {  	_ =	swait.ge [sflag:s18], $0x3E80  }
0x39: {  	s31 =	simm.s32 $0x800;
	s30 =	simm.s32 $0x100;
	[sflag:s18] =	ssyncset.done $0x0  }
.LBB2_2:
0x3a: {  	s2 =	sadd.s32 $0x13900, s30  }
0x3b: {  	[sflag:s18] =	ssyncadd.s32 $0xFFFFC180;
	s0 =	smov.u32 s31;
	s4 =	sadd.s32 $0x400, s31  }
0x3c: {  	[tilespmem:s22], [sflag:$0x2] =	stream.indirect.gather [hbm4b:s1+s20], $0x80, s2, s20, $0xb8;
	[tilespmem:$0x1E080] =	vst v63  }
0x3d: {  	p1 =	sne.s32 s31, $0x4800;
	_ =	swait.ge [sflag:s23], $0x3E80  }
0x3e: {  	[sflag:s23] =	ssyncset.done $0x0  }
0x3f: {  	s2 =	sadd.s32 $0x14C80, s30;
	[sflag:s23] =	ssyncadd.s32 $0xFFFFC180  }
0x40: {  	[spmem:s3] =	stream.indirect.scatter.add.f32 [tilespmem:s21], [sflag:$0x3], $0x80, s2, s20, $0xb8;
	[tilespmem:$0x1E080] =	vst v63  }
0x41: {  	_ =	swait.ge [sflag:s18], $0x3E80  }
0x42: {  	[sflag:s18] =	ssyncset.done $0x0  }
0x43: {  	s2 =	sadd.s32 $0x13980, s30;
	[sflag:s18] =	ssyncadd.s32 $0xFFFFC180  }
0x44: {  	[tilespmem:s21], [sflag:$0x1] =	stream.indirect.gather [hbm4b:s1+s20], $0x80, s2, s20, $0xb8;
	[tilespmem:$0x1E080] =	vst v63  }
0x45: {  	_ =	swait.ge [sflag:s24], $0x3E80  }
.Ltmp0:
0x46: {  	[sflag:s24] =	ssyncset.done $0x0;
	(pc) =	sbr.rel @p1 .LBB2_2-.Ltmp0, $4  }
0x47: {  	s2 =	sadd.s32 $0x14D00, s30;
	[sflag:s24] =	ssyncadd.s32 $0xFFFFC180  }
0x48: {  	[spmem:s3] =	stream.indirect.scatter.add.f32 [tilespmem:s22], [sflag:$0x3], $0x80, s2, s20, $0xb8;
	[tilespmem:$0x1E080] =	vst v63  }
0x49: {  	_ =	swait.ge [sflag:s18], $0x3E80  }
0x4a: {  	s31 =	smov.u32 s4;
	s30 =	sshra.s32 s0, $0x2;
	[sflag:s18] =	ssyncset.done $0x0  }
0x4b: {  	s0 =	sadd.s32 $0x13900, s30;
	[sflag:s18] =	ssyncadd.s32 $0xFFFFC180  }
0x4c: {  	[tilespmem:s22], [sflag:$0x2] =	stream.indirect.gather [hbm4b:s1+s20], $0x80, s0, s20, $0xb8;
	[tilespmem:$0x1E080] =	vst v63  }
0x4d: {  	_ =	swait.ge [sflag:s23], $0x3E80  }
0x4e: {  	[sflag:s23] =	ssyncset.done $0x0  }
0x4f: {  	s2 =	sadd.s32 $0x14C80, s30;
	[sflag:s23] =	ssyncadd.s32 $0xFFFFC180  }
0x50: {  	[spmem:s3] =	stream.indirect.scatter.add.f32 [tilespmem:s21], [sflag:$0x3], $0x80, s2, s20, $0xb8;
	[tilespmem:$0x1E080] =	vst v63  }
0x51: {  	_ =	swait.ge [sflag:s18], $0x3E80  }
0x52: {  	[sflag:s18] =	ssyncset.done $0x0  }
0x53: {  	s4 =	sadd.s32 $0x13980, s30;
	[sflag:s18] =	ssyncadd.s32 $0xFFFFC180  }
0x54: {  	[tilespmem:s21], [sflag:$0x1] =	stream.indirect.gather [hbm4b:s1+s20], $0x80, s4, s20, $0xb8;
	[tilespmem:$0x1E080] =	vst v63  }
0x55: {  	_ =	swait.ge [sflag:s24], $0x3E80  }
0x56: {  	[sflag:s24] =	ssyncset.done $0x0  }
0x57: {  	s2 =	sadd.s32 $0x14D00, s30;
	[sflag:s24] =	ssyncadd.s32 $0xFFFFC180  }
0x58: {  	[spmem:s3] =	stream.indirect.scatter.add.f32 [tilespmem:s22], [sflag:$0x3], $0x80, s2, s20, $0xb8;
	[tilespmem:$0x1E080] =	vst v63  }
0x59: {  	_ =	swait.ge [sflag:s18], $0x3E80  }
0x5a: {  	[sflag:s18] =	ssyncset.done $0x0  }
0x5b: {  	[sflag:s18] =	ssyncadd.s32 $0xFFFFC180  }
0x5c: {  	[tilespmem:s22], [sflag:$0x2] =	stream.indirect.gather [hbm4b:s1+s20], $0x80, s25, s20, $0xb8;
	[tilespmem:$0x1E080] =	vst v63  }
0x5d: {  	_ =	swait.ge [sflag:s23], $0x3E80  }
0x5e: {  	[sflag:s23] =	ssyncset.done $0x0  }
0x5f: {  	[sflag:s23] =	ssyncadd.s32 $0xFFFFC180  }
0x60: {  	[spmem:s3] =	stream.indirect.scatter.add.f32 [tilespmem:s21], [sflag:$0x3], $0x80, s26, s20, $0xb8;
	[tilespmem:$0x1E080] =	vst v63  }
0x61: {  	_ =	swait.ge [sflag:s18], $0x3E80  }
0x62: {  	[sflag:s18] =	ssyncset.done $0x0  }
0x63: {  	[sflag:s18] =	ssyncadd.s32 $0xFFFFC180  }
0x64: {  	_ =	swait.ge [sflag:s24], $0x3E80  }
0x65: {  	[sflag:s24] =	ssyncset.done $0x0  }
0x66: {  	[sflag:s24] =	ssyncadd.s32 $0xFFFFC180  }
0x67: {  	[spmem:s3] =	stream.indirect.scatter.add.f32 [tilespmem:s22], [sflag:$0x3], $0x80, s28, s20, $0xb8;
	[tilespmem:$0x1E080] =	vst v63  }
0x68: {  	_ =	swait.ge [sflag:s18], $0x3E80  }
0x69: {  	[sflag:s18] =	ssyncset.done $0x0  }
0x6a: {  	s4 =	simm.s32 $0x0;
	[sflag:s18] =	ssyncadd.s32 $0xFFFFC180  }
0x6b: {  	[tilespmem:s17], [sflag:$0x3] =	stream.linear.gather [hbm4b:s9+s4], $0x1400, $0x38;
	[tilespmem:$0x1E080] =	vst v63  }
0x6c: {  	_ =	swait.ge [sflag:s18], $0x1400  }
0x6d: {  	[sflag:s18] =	ssyncset.done $0x0  }
0x6e: {  	[sflag:s18] =	ssyncadd.s32 $0xFFFFEC00  }
0x6f: {  	[tilespmem:s19], [sflag:$0x3] =	stream.linear.gather [hbm4b:s10+s4], $0x1400, $0x38;
	[tilespmem:$0x1E080] =	vst v63  }
0x70: {  	_ =	swait.ge [sflag:s18], $0x1400  }
0x71: {  	[sflag:s18] =	ssyncset.done $0x0  }
0x72: {  	[sflag:s18] =	ssyncadd.s32 $0xFFFFEC00  }
0x73: {  	[tilespmem:s21], [sflag:$0x1] =	stream.indirect.gather [hbm4b:s1+s20], $0x80, s17, s20, $0xb8;
	[tilespmem:$0x1E080] =	vst v63  }
0x74: {  	s2 =	simm.s32 $0x13900  }
0x75: {  	[tilespmem:s22], [sflag:$0x2] =	stream.indirect.gather [hbm4b:s1+s20], $0x80, s2, s20, $0xb8;
	[tilespmem:$0x1E080] =	vst v63  }
0x76: {  	_ =	swait.ge [sflag:s23], $0x3E80  }
0x77: {  	[sflag:s23] =	ssyncset.done $0x0  }
0x78: {  	s4 =	simm.s32 $0x14C80;
	[sflag:s23] =	ssyncadd.s32 $0xFFFFC180  }
0x79: {  	[spmem:s3] =	stream.indirect.scatter.add.f32 [tilespmem:s21], [sflag:$0x3], $0x80, s4, s20, $0xb8;
	[tilespmem:$0x1E080] =	vst v63  }
0x7a: {  	_ =	swait.ge [sflag:s18], $0x3E80  }
0x7b: {  	[sflag:s18] =	ssyncset.done $0x0  }
0x7c: {  	s2 =	simm.s32 $0x13980;
	[sflag:s18] =	ssyncadd.s32 $0xFFFFC180  }
0x7d: {  	[tilespmem:s21], [sflag:$0x1] =	stream.indirect.gather [hbm4b:s1+s20], $0x80, s2, s20, $0xb8;
	[tilespmem:$0x1E080] =	vst v63  }
0x7e: {  	_ =	swait.ge [sflag:s24], $0x3E80  }
0x7f: {  	[sflag:s24] =	ssyncset.done $0x0  }
0x80: {  	s4 =	simm.s32 $0x14D00;
	[sflag:s24] =	ssyncadd.s32 $0xFFFFC180  }
0x81: {  	[spmem:s3] =	stream.indirect.scatter.add.f32 [tilespmem:s22], [sflag:$0x3], $0x80, s4, s20, $0xb8;
	[tilespmem:$0x1E080] =	vst v63  }
0x82: {  	_ =	swait.ge [sflag:s18], $0x3E80  }
0x83: {  	s31 =	simm.s32 $0x800;
	s30 =	simm.s32 $0x100;
	[sflag:s18] =	ssyncset.done $0x0  }
.LBB2_4:
0x84: {  	s0 =	sadd.s32 $0x13900, s30  }
0x85: {  	[sflag:s18] =	ssyncadd.s32 $0xFFFFC180;
	s2 =	smov.u32 s31;
	s4 =	sadd.s32 $0x400, s31  }
0x86: {  	[tilespmem:s22], [sflag:$0x2] =	stream.indirect.gather [hbm4b:s1+s20], $0x80, s0, s20, $0xb8;
	[tilespmem:$0x1E080] =	vst v63  }
0x87: {  	p1 =	sne.s32 s31, $0x4800;
	_ =	swait.ge [sflag:s23], $0x3E80  }
0x88: {  	[sflag:s23] =	ssyncset.done $0x0  }
0x89: {  	s0 =	sadd.s32 $0x14C80, s30;
	[sflag:s23] =	ssyncadd.s32 $0xFFFFC180  }
0x8a: {  	[spmem:s3] =	stream.indirect.scatter.add.f32 [tilespmem:s21], [sflag:$0x3], $0x80, s0, s20, $0xb8;
	[tilespmem:$0x1E080] =	vst v63  }
0x8b: {  	_ =	swait.ge [sflag:s18], $0x3E80  }
0x8c: {  	[sflag:s18] =	ssyncset.done $0x0  }
0x8d: {  	s0 =	sadd.s32 $0x13980, s30;
	[sflag:s18] =	ssyncadd.s32 $0xFFFFC180  }
0x8e: {  	[tilespmem:s21], [sflag:$0x1] =	stream.indirect.gather [hbm4b:s1+s20], $0x80, s0, s20, $0xb8;
	[tilespmem:$0x1E080] =	vst v63  }
0x8f: {  	_ =	swait.ge [sflag:s24], $0x3E80  }
.Ltmp1:
0x90: {  	[sflag:s24] =	ssyncset.done $0x0;
	(pc) =	sbr.rel @p1 .LBB2_4-.Ltmp1, $4  }
0x91: {  	s0 =	sadd.s32 $0x14D00, s30;
	[sflag:s24] =	ssyncadd.s32 $0xFFFFC180  }
0x92: {  	[spmem:s3] =	stream.indirect.scatter.add.f32 [tilespmem:s22], [sflag:$0x3], $0x80, s0, s20, $0xb8;
	[tilespmem:$0x1E080] =	vst v63  }
0x93: {  	_ =	swait.ge [sflag:s18], $0x3E80  }
0x94: {  	s31 =	smov.u32 s4;
	s30 =	sshra.s32 s2, $0x2;
	[sflag:s18] =	ssyncset.done $0x0  }
0x95: {  	s0 =	sadd.s32 $0x13900, s30;
	[sflag:s18] =	ssyncadd.s32 $0xFFFFC180  }
0x96: {  	[tilespmem:s22], [sflag:$0x2] =	stream.indirect.gather [hbm4b:s1+s20], $0x80, s0, s20, $0xb8;
	[tilespmem:$0x1E080] =	vst v63  }
0x97: {  	_ =	swait.ge [sflag:s23], $0x3E80  }
0x98: {  	[sflag:s23] =	ssyncset.done $0x0  }
0x99: {  	s2 =	sadd.s32 $0x14C80, s30;
	[sflag:s23] =	ssyncadd.s32 $0xFFFFC180  }
0x9a: {  	[spmem:s3] =	stream.indirect.scatter.add.f32 [tilespmem:s21], [sflag:$0x3], $0x80, s2, s20, $0xb8;
	[tilespmem:$0x1E080] =	vst v63  }
0x9b: {  	_ =	swait.ge [sflag:s18], $0x3E80  }
0x9c: {  	[sflag:s18] =	ssyncset.done $0x0  }
0x9d: {  	s4 =	sadd.s32 $0x13980, s30;
	[sflag:s18] =	ssyncadd.s32 $0xFFFFC180  }
0x9e: {  	[tilespmem:s21], [sflag:$0x1] =	stream.indirect.gather [hbm4b:s1+s20], $0x80, s4, s20, $0xb8;
	[tilespmem:$0x1E080] =	vst v63  }
0x9f: {  	_ =	swait.ge [sflag:s24], $0x3E80  }
0xa0: {  	[sflag:s24] =	ssyncset.done $0x0  }
0xa1: {  	s31 =	sadd.s32 $0x14D00, s30;
	[sflag:s24] =	ssyncadd.s32 $0xFFFFC180  }
0xa2: {  	[spmem:s3] =	stream.indirect.scatter.add.f32 [tilespmem:s22], [sflag:$0x3], $0x80, s31, s20, $0xb8;
	[tilespmem:$0x1E080] =	vst v63  }
0xa3: {  	_ =	swait.ge [sflag:s18], $0x3E80  }
0xa4: {  	[sflag:s18] =	ssyncset.done $0x0  }
0xa5: {  	[sflag:s18] =	ssyncadd.s32 $0xFFFFC180  }
0xa6: {  	[tilespmem:s22], [sflag:$0x2] =	stream.indirect.gather [hbm4b:s1+s20], $0x80, s25, s20, $0xb8;
	[tilespmem:$0x1E080] =	vst v63  }
0xa7: {  	_ =	swait.ge [sflag:s23], $0x3E80  }
0xa8: {  	[sflag:s23] =	ssyncset.done $0x0  }
0xa9: {  	[sflag:s23] =	ssyncadd.s32 $0xFFFFC180  }
0xaa: {  	[spmem:s3] =	stream.indirect.scatter.add.f32 [tilespmem:s21], [sflag:$0x3], $0x80, s26, s20, $0xb8;
	[tilespmem:$0x1E080] =	vst v63  }
0xab: {  	_ =	swait.ge [sflag:s18], $0x3E80  }
0xac: {  	[sflag:s18] =	ssyncset.done $0x0  }
0xad: {  	[sflag:s18] =	ssyncadd.s32 $0xFFFFC180  }
0xae: {  	_ =	swait.ge [sflag:s24], $0x3E80  }
0xaf: {  	[sflag:s24] =	ssyncset.done $0x0  }
0xb0: {  	[sflag:s24] =	ssyncadd.s32 $0xFFFFC180  }
0xb1: {  	[spmem:s3] =	stream.indirect.scatter.add.f32 [tilespmem:s22], [sflag:$0x3], $0x80, s28, s20, $0xb8;
	[tilespmem:$0x1E080] =	vst v63  }
0xb2: {  	_ =	swait.ge [sflag:s18], $0x3E80  }
0xb3: {  	[sflag:s18] =	ssyncset.done $0x0  }
0xb4: {  	[sflag:s18] =	ssyncadd.s32 $0xFFFFC180  }
0xb5: {  	s0 =	simm.s32 @p0 $0x1FC3;
	[bflag:$0x0] =	sbarrier.arrive $0xFFFF  }
0xb6: {  	[hbm:s12], [sflag:s0] =	dma.local @p0 [spmem:s14], $0x2080  }
0xb7: {  	s0 =	simm.s32 @p0 $0x3  }
0xb8: {  	s29 =	sadd.s32 $0x1, s29;
	_ =	swait.ge @p0 [sflag:s0], $0x2080  }
0xb9: {  	p1 =	sne.s32 s29, s13;
	[sflag:s0] =	ssyncset.done @p0 $0x0  }
.Ltmp2:
0xba: {  	[sflag:s0] =	ssyncadd.s32 @p0 $0xFFFFDF80;
	s0 =	simm.s32 @!p0 $0x3;
	(pc) =	sbr.rel @p1 .LBB2_1-.Ltmp2, $4  }
0xbb: {  	[hbm:s11], [sflag:s15] =	dma.local @!p0 [spmem:s16], $0x2780  }
0xbc: {  	_ =	swait.ge @!p0 [sflag:s0], $0x2780  }
0xbd: {  	[sflag:s0] =	ssyncset.done @!p0 $0x0  }
0xbe: {  	[sflag:s0] =	ssyncadd.s32 @!p0 $0xFFFFD880  }
0xbf: {  	_ =	sfence.sel $0x180000  }
0xc0: {  	[bflag:$0x0] =	sbarrier.arrive $0xFFFF  }
0xc1: {  	_ =	strace $0x9000004A  }
0xc2: {  	s0 =	stileid.u32;
	[bflag:$0x2] =	sbarrier.arrive $0xFFFF  }
0xc3: {  	p0 =	sne.s32 s0, $0x0;
	s0 =	rddreg [dreg:$0x3]  }
0xc4: {  	s0 =	sadd.s32 @!p0 $0x100000, s0  }
0xc5: {  	[sflag:s0] =	ssyncadd.tile.s32 @!p0 $0x1;
	_ =	shalt  }
.Lfunc_end2:
_tile_overlayer_lowered:
.L_overlay_start_2:
0xc6: {  	(tag) =	ssettag $0x2  }
0xc7: {  	s0 =	rddreg [dreg:$0x0];
	s2 =	stileid.u32  }
0xc8: {  	s1 =	rddreg [dreg:$0x1];
	p0 =	sne.s32 s2, $0x0  }
0xc9: {  	s3 =	rddreg [dreg:$0x2];
	[bflag:$0x3] =	sbarrier.arrive $0xFFFF;
	s2 =	simm.s32 @!p0 $0x1C03  }
0xca: {  	[timem:s3], [sflag:s2] =	dma.local @!p0 [hbm:s0], s1  }
0xcb: {  	s0 =	simm.s32 @!p0 $0x3  }
0xcc: {  	_ =	swait.ge @!p0 [sflag:s0], s1  }
0xcd: {  	s1 =	ssub.s32 @!p0 $0x0, s1;
	[sflag:s0] =	ssyncset.done @!p0 $0x0  }
0xce: {  	[sflag:s0] =	ssyncadd.s32 @!p0 s1  }
0xcf: {  	[bflag:$0x3] =	sbarrier.arrive $0xFFFF  }
0xd0: {  	_ =	shalt  }

// kernel: kernel.7.cloned.1.call-start
scs
__scs_entry_jumppad:
0x0: {  	(pc) =	sbr.rel $0x88, $3  }
0x1: {  	(tag) =	ssettag $0x0;
	lr =	simm.s32 $0x1  }
0x2: {  	[smem:$0x3F9D] =	sst lr;
	_ =	strace $0xD0000000  }
0x3: {  	_ = 	snop  }
0x4: {  	_ = 	snop  }
0x5: {  	_ = 	snop  }
0x6: {  	_ = 	snop  }
0x7: {  	_ = 	snop  }
__scs_overlays_trampoline_lowered:
0x8: {  	[smem:$0x3FAC] =	sst s0  }
0x9: {  	[smem:$0x3FAD] =	sst s1  }
0xa: {  	[smem:$0x3FAE] =	sst s2  }
0xb: {  	[smem:$0x3FAF] =	sst s3  }
0xc: {  	[smem:$0x3FB0] =	sst s4  }
0xd: {  	[smem:$0x3FB1] =	sst s5  }
0xe: {  	[smem:$0x3FB2] =	sst s6  }
0xf: {  	[smem:$0x3FB3] =	sst s7  }
0x10: {  	[smem:$0x3FB4] =	sst s8  }
0x11: {  	[smem:$0x3FB5] =	sst s9;
	s0 =	simm.s32 @!p0 $0x0  }
0x12: {  	s1 =	sld [smem:$0x3F9B];
	s0 =	simm.s32 @p0 $0x1  }
0x13: {  	[smem:$0x3FB6] =	sst s0;
	s0 =	simm.s32 @!p1 $0x0  }
0x14: {  	s2 =	sld [smem:$0x3F9A];
	s0 =	simm.s32 @p1 $0x1  }
0x15: {  	[smem:$0x3FB7] =	sst s0;
	s0 =	simm.s32 @!p2 $0x0  }
0x16: {  	s3 =	sld [smem:$0x3FDB];
	s0 =	simm.s32 @p2 $0x1  }
0x17: {  	s4 =	simm.s32 $0x1BF5;
	[smem:$0x3FB9] =	sst s0  }
0x18: {  	s0 =	sld [smem:$0x3F9C];
	_ =	swait.ge [sflag:s4], $0x0  }
0x19: {  	s7 =	sld [smem:$0x3F9D]  }
0x1a: {  	s8 =	sadd.s32 $0xFFFFE003, lr  }
0x1b: {  	s9 =	sadd.s32 $0xFFFFFEF7, lr;
	s5 =	simm.s32 $0xFFFFFFFF;
	p2 =	slt.u32 s8, $0xFFFFF086  }
0x1c: {  	p1 =	slt.u32 s9, $0xF7A;
	s5 =	simm.s32 @!p2 $0x0  }
0x1d: {  	s5 =	simm.s32 @p1 $0x1;
	p0 =	seq.s32 s7, s2  }
0x1e: {  	s7 =	smul.u32 @!p0 $0xF7A, s2;
	p2 =	seq.s32 @!p0 s5, $0x0  }
0x1f: {  	s9 =	smul.u32 $0xF7A, s1;
	s8 =	simm.s32 @!p0 $0x1BF5;
	p2 =	por !p2, p0  }
0x20: {  	[sflag:s8] =	ssyncset.s32 @!p0 $0xFFFFF086;
	s6 =	sadd.s32 @!p0 s3, s7;
	s7 =	simm.s32 @!p0 $0x108  }
0x21: {  	s3 =	sadd.s32 s3, s9;
	s6 =	sadd.s32 @!p0 $0x88, s6;
	s7 =	simm.s32 @p2 $0x1082  }
0x22: {  	[simem:s7], [sflag:s8] =	dma.local @!p0 [hbm:s6], $0xF7A  }
0x23: {  	s9 =	sor.u32 $0xD0000000, s2;
	s6 =	simm.s32 $0x108;
	_ =	swait.ge @!p0 [sflag:s8], $0x0  }
0x24: {  	s3 =	sadd.s32 $0x88, s3;
	s6 =	simm.s32 @!p1 $0x1082;
	[sflag:s4] =	ssyncset.s32 $0xFFFFF086  }
0x25: {  	[simem:s6], [sflag:s4] =	dma.local [hbm:s3], $0xF7A  }
0x26: {  	[smem:$0x3F9D] =	sst s1;
	(tag) =	ssettag s2;
	_ =	strace s9  }
0x27: {  	s1 =	sld [smem:$0x3FAD]  }
0x28: {  	s2 =	sld [smem:$0x3FAE]  }
0x29: {  	s4 =	sld [smem:$0x3FB0]  }
0x2a: {  	p0 =	seq.s32 s5, $0x0;
	s5 =	sld [smem:$0x3FB1]  }
0x2b: {  	s6 =	sld [smem:$0x3FB2]  }
0x2c: {  	s7 =	sld [smem:$0x3FB3]  }
0x2d: {  	s3 =	simm.s32 $0x108;
	s8 =	sld [smem:$0x3FB4]  }
0x2e: {  	s3 =	simm.s32 @!p0 $0x1082;
	s9 =	sld [smem:$0x3FB5]  }
0x2f: {  	lr =	sadd.s32 s0, s3;
	s0 =	sld [smem:$0x3FAC]  }
0x30: {  	s3 =	sld [smem:$0x3FAF]  }
0x31: {  	[smem:$0x3FB8] =	sst s10  }
0x32: {  	s10 =	sld [smem:$0x3FB6];
	_ =	sdelay $0x3  }
0x33: {  	p0 =	seq.s32 s10, $0x1;
	s10 =	sld [smem:$0x3FB8];
	_ =	sdelay $0x3  }
0x34: {  	[smem:$0x3FB8] =	sst s10  }
0x35: {  	s10 =	sld [smem:$0x3FB7];
	_ =	sdelay $0x3  }
0x36: {  	p1 =	seq.s32 s10, $0x1;
	s10 =	sld [smem:$0x3FB8];
	_ =	sdelay $0x3  }
0x37: {  	[smem:$0x3FB8] =	sst s10  }
0x38: {  	s10 =	sld [smem:$0x3FB9]  }
0x39: {  	_ = 	snop;
	(pc) =	sbr.ind lr, $3  }
0x3a: {  	_ = 	snop  }
0x3b: {  	_ = 	snop  }
0x3c: {  	p2 =	seq.s32 s10, $0x1;
	s10 =	sld [smem:$0x3FB8]  }
0x3d: {  	_ =	shalt  }
0x3e: {  	_ =	shalt  }
0x3f: {  	_ =	shalt  }
0x40: {  	_ =	shalt  }
0x41: {  	_ =	shalt  }
0x42: {  	_ =	shalt  }
0x43: {  	_ =	shalt  }
0x44: {  	_ =	shalt  }
0x45: {  	_ =	shalt  }
0x46: {  	_ =	shalt  }
0x47: {  	_ =	shalt  }
0x48: {  	_ =	shalt  }
0x49: {  	_ =	shalt  }
0x4a: {  	_ =	shalt  }
0x4b: {  	_ =	shalt  }
0x4c: {  	_ =	shalt  }
0x4d: {  	_ =	shalt  }
0x4e: {  	_ =	shalt  }
0x4f: {  	_ =	shalt  }
0x50: {  	_ =	shalt  }
0x51: {  	_ =	shalt  }
0x52: {  	_ =	shalt  }
0x53: {  	_ =	shalt  }
0x54: {  	_ =	shalt  }
0x55: {  	_ =	shalt  }
0x56: {  	_ =	shalt  }
0x57: {  	_ =	shalt  }
0x58: {  	_ =	shalt  }
0x59: {  	_ =	shalt  }
0x5a: {  	_ =	shalt  }
0x5b: {  	_ =	shalt  }
0x5c: {  	_ =	shalt  }
0x5d: {  	_ =	shalt  }
0x5e: {  	_ =	shalt  }
0x5f: {  	_ =	shalt  }
0x60: {  	_ =	shalt  }
0x61: {  	_ =	shalt  }
0x62: {  	_ =	shalt  }
0x63: {  	_ =	shalt  }
0x64: {  	_ =	shalt  }
0x65: {  	_ =	shalt  }
0x66: {  	_ =	shalt  }
0x67: {  	_ =	shalt  }
0x68: {  	_ =	shalt  }
0x69: {  	_ =	shalt  }
0x6a: {  	_ =	shalt  }
0x6b: {  	_ =	shalt  }
0x6c: {  	_ =	shalt  }
0x6d: {  	_ =	shalt  }
0x6e: {  	_ =	shalt  }
0x6f: {  	_ =	shalt  }
0x70: {  	_ =	shalt  }
0x71: {  	_ =	shalt  }
0x72: {  	_ =	shalt  }
0x73: {  	_ =	shalt  }
0x74: {  	_ =	shalt  }
0x75: {  	_ =	shalt  }
0x76: {  	_ =	shalt  }
0x77: {  	_ =	shalt  }
0x78: {  	_ =	shalt  }
0x79: {  	_ =	shalt  }
0x7a: {  	_ =	shalt  }
0x7b: {  	_ =	shalt  }
0x7c: {  	_ =	shalt  }
0x7d: {  	_ =	shalt  }
0x7e: {  	_ =	shalt  }
0x7f: {  	_ =	shalt  }
0x80: {  	_ =	shalt  }
0x81: {  	_ =	shalt  }
0x82: {  	_ =	shalt  }
0x83: {  	_ =	shalt  }
0x84: {  	_ =	shalt  }
0x85: {  	_ =	shalt  }
0x86: {  	_ =	shalt  }
0x87: {  	_ =	shalt  }
.Lfunc_end0:
.L_simem_size_0:
called_computation_lowered:
.L_overlay_start_0:
0x88: {  	s2 =	sld [smem:$0x3FD9]  }
0x89: {  	s3 =	sld [smem:$0x3FFE];
	_ =	sdelay $0x1  }
0x8a: {  	s1 =	srdreg.scid  }
0x8b: {  	s0 =	sand.u32 $0x1, s1  }
0x8c: {  	s16 =	sshll.u32 s0, $0xA;
	s2 =	sadd.s32 s3, s2  }
0x8d: {  	s2 =	sadd.s32 s2, s16  }
0x8e: {  	[smem:$0x3FC4] =	sst s2  }
0x8f: {  	_ = 	snop  }
0x90: {  	(tm) =	ssettm $0x1  }
0x91: {  	s17 =	sld [smem:$0x3FFB];
	_ =	sdelay $0x3  }
0x92: {  	_ =	strace s17  }
0x93: {  	s2 =	sld [smem:$0x3FFC];
	_ =	sdelay $0x3  }
0x94: {  	_ =	strace s2  }
0x95: {  	s2 =	sld [smem:$0x3FFD];
	_ =	sdelay $0x3  }
0x96: {  	_ =	strace s2  }
0x97: {  	_ =	strace $0x8FFFFFFF  }
0x98: {  	s18 =	sld [smem:$0x3FDB];
	_ =	sdelay $0x1  }
0x99: {  	s19 =	simm.s32 $_scs_section_size  }
0x9a: {  	s4 =	simm.s32 $_size__tile_overlayer_lowered;
	s5 =	simm.s32 $_tile_overlayer_lowered  }
0x9b: {  	s22 =	simm.s32 $0x1BFF;
	s21 =	sshll.u32 s5, $0x1;
	s2 =	sadd.s32 s19, s18  }
0x9c: {  	s6 =	simm.s32 $0x0;
	s20 =	sshll.u32 s4, $0x1;
	s4 =	sadd.s32 s21, s2  }
0x9d: {  	[timem:s6], [sflag:s22] =	dma.local [hbm:s4], s20  }
0x9e: {  	_ =	swait.ge [sflag:s22], s20  }
0x9f: {  	s3 =	ssub.s32 $0x0, s20;
	[sflag:s22] =	ssyncset.done $0x0  }
0xa0: {  	[sflag:s22] =	ssyncadd.s32 s3;
	_ =	sdelay $0x1  }
0xa1: {  	s23 =	simm.s32 $0x1B8B  }
0xa2: {  	_ =	swait.ge [sflag:s23], $0x1  }
0xa3: {  	[sflag:s23] =	ssyncset.done $0x0  }
0xa4: {  	s25 =	simm.s32 $0x1B8E;
	s24 =	sld [smem:$0x3FFE];
	[sflag:s23] =	ssyncadd.s32 $0xFFFFFFFF  }
0xa5: {  	s26 =	simm.s32 $execute0_lowered;
	[smem:$0x3FD2] =	sst s25  }
0xa6: {  	s4 =	sshll.u32 s26, $0x1;
	_ =	strace $0x80000046;
	[dreg:$0x1] =	wrdreg $0xFFFFFFFF  }
0xa7: {  	s28 =	simm.s32 $_size_execute0_lowered;
	s2 =	sadd.s32 s2, s4;
	[dreg:$0x0] =	wrdreg $0x0  }
0xa8: {  	s4 =	sshll.u32 s28, $0x1;
	[dreg:$0x2] =	wrdreg s2  }
0xa9: {  	[dreg:$0x3] =	wrdreg s4  }
0xaa: {  	[dreg:$0x4] =	wrdreg $0xC0  }
0xab: {  	_ =	task [dreg:s6], $0x5FFFF  }
0xac: {  	[dreg:$0x1] =	wrdreg $0xFFFFFFFF  }
0xad: {  	[dreg:$0x0] =	wrdreg $0x60  }
0xae: {  	[dreg:$0x2] =	wrdreg s24  }
0xaf: {  	[dreg:$0x3] =	wrdreg $0x0  }
0xb0: {  	[dreg:$0x4] =	wrdreg $0x9  }
0xb1: {  	_ =	task.clear_ibuf [dreg:s6], $0x5FFFF;
	_ =	strace $0x90000046  }
0xb2: {  	s29 =	simm.s32 $0x9;
	_ =	strace $0x80000048  }
0xb3: {  	_ =	swait.ge [sflag:s29], $0x1  }
0xb4: {  	[sflag:s29] =	ssyncadd.s32 $0xFFFFFFFF  }
0xb5: {  	_ =	strace $0x90000048  }
0xb6: {  	_ =	sfence  }
0xb7: {  	s30 =	sld [smem:$0x0];
	_ =	sdelay $0x2  }
0xb8: {  	s31 =	sshll.u32 s1, $0xD;
	s1 =	sshrl.u32 s1, $0x2  }
0xb9: {  	s3 =	sand.u32 $0x4000, s31;
	s1 =	sadd.s32 s1, s30  }
0xba: {  	s0 =	sor.u32 s3, s0;
	s1 =	sshll.u32 s1, $0x11  }
0xbb: {  	s0 =	sor.u32 s1, s0  }
0xbc: {  	s0 =	sadd.s32 $0x8F2B, s0  }
0xbd: {  	[sflag:s0] =	ssyncadd.remote.s32 $0x1  }
0xbe: {  	_ =	sfence.sel $0xFFFF  }
0xbf: {  	[dreg:$0x0] =	wrdreg $0xFFFFFFFF;
	(pc) =	sbr.abs _section_cstart, $3  }
0xc0: {  	[dreg:$0x1] =	wrdreg $0xFFFFFFFF  }
0xc1: {  	_ =	task.clear_ibuf [dreg:s6], $0x2FFFF;
	_ =	strace $0x9FFFFFFF  }
0xc2: {  	(tm) =	ssettm $0x7FFFFFFF  }
0xc3: {  	_ =	shalt  }
tec
execute0_lowered:
.L_overlay_start_1:
0x0: {  	(tag) =	ssettag $0x1  }
0x1: {  	s5 =	rddreg [dreg:$0x0]  }
0x2: {  	s1 =	rddreg [dreg:$0x1]  }
0x3: {  	s2 =	srdreg.scid;
	s0 =	rddreg [dreg:$0x2]  }
0x4: {  	s3 =	simm.s32 $0x0;
	s6 =	sand.u32 $0x1, s2;
	s2 =	stileid.u32  }
0x5: {  	s15 =	simm.s32 $0x7D;
	s16 =	simm.s32 $0x14C80;
	s7 =	smul.u32 $0x2780, s2  }
0x6: {  	[smem:$0x7FF] =	sst s3;
	s12 =	sadd.s32 $0x2DA00, s5;
	s10 =	smul.u32 $0x4F000, s2  }
0x7: {  	s14 =	sadd.s32 $0x128400, s1;
	s4 =	sshll.u32 s6, $0x4;
	s29 =	smul.u32 $0x138800, s6  }
0x8: {  	_ =	strace $0x80000047;
	s9 =	ssub.s32 $0x2, s6;
	s30 =	smul.u32 $0x27100, s6  }
0x9: {  	p0 =	seq.s32 s2, $0xF;
	s4 =	sor.u32 s2, s4;
	s26 =	sshrl.u32 s9, $0x1  }
0xa: {  	s4 =	smul.u32 $0x280, s4;
	s8 =	sadd.s32 s7, s5;
	s9 =	ssub.s32 s9, s26  }
0xb: {  	s28 =	sshrl.u32 s10, $0x2;
	s10 =	sshrl.u32 s29, $0x3;
	s7 =	sadd.s32 s7, s30  }
0xc: {  	s13 =	sadd.s32 s28, s1;
	s31 =	sadd.s32 s12, s10;
	s7 =	sadd.s32 s12, s7  }
0xd: {  	s9 =	smax.u32 s9, $0x1;
	s10 =	sshrl.u32 @p0 s14, $0x3;
	s14 =	simm.s32 $0x1  }
0xe: {  	s11 =	sadd.s32 s4, s5;
	s4 =	sadd.s32 $0x6800, s8;
	s5 =	sadd.s32 $0x2B880, s5  }
0xf: {  	s8 =	sadd.s32 $0x25080, s31;
	s6 =	sadd.s32 $0x1800, s11;
	s11 =	sshll.u32 @!p0 s2, $0x6  }
0x10: {  	v0 =	vimm.f32 $1.000000000e+00;
	s12 =	sshrl.u32 @!p0 s13, $0x3;
	s13 =	simm.s32 $0x13880;
	s11 =	sor.u32 @!p0 $0x1C01, s11  }
.LBB2_1:
0x11: {  	s17 =	simm.s32 $0x0;
	s18 =	simm.s32 $0x200  }
.LBB2_2:
0x12: {  	p1 =	sne.s32 s18, $0xF800;
	[tilespmem:s17+$0x14CF0] =	vst v0  }
0x13: {  	[tilespmem:s17+$0x14C80] =	vst v0  }
0x14: {  	[tilespmem:s17+$0x14C90] =	vst v0  }
.Ltmp0:
0x15: {  	[tilespmem:s17+$0x14CA0] =	vst v0;
	(pc) =	sbr.rel @p1 .LBB2_2-.Ltmp0, $4  }
0x16: {  	[tilespmem:s17+$0x14CB0] =	vst v0  }
0x17: {  	[tilespmem:s17+$0x14CC0] =	vst v0  }
0x18: {  	[tilespmem:s17+$0x14CD0] =	vst v0  }
0x19: {  	[tilespmem:s17+$0x14CE0] =	vst v0;
	s17 =	sshra.s32 s18, $0x2;
	s18 =	sadd.s32 $0x200, s18  }
0x1a: {  	[tilespmem:s17+$0x14CF0] =	vst v0  }
0x1b: {  	[tilespmem:s17+$0x14C80] =	vst v0  }
0x1c: {  	[tilespmem:s17+$0x14C90] =	vst v0  }
0x1d: {  	[tilespmem:s17+$0x14CA0] =	vst v0  }
0x1e: {  	[tilespmem:s17+$0x14CB0] =	vst v0  }
0x1f: {  	[tilespmem:s17+$0x14CC0] =	vst v0  }
0x20: {  	[tilespmem:s17+$0x14CD0] =	vst v0  }
0x21: {  	[tilespmem:s17+$0x14CE0] =	vst v0;
	s17 =	simm.s32 @p0 $0x1FC1  }
0x22: {  	[spmem:s10], [sflag:s17] =	dma.local @p0 [hbm:s5], $0x2080  }
0x23: {  	s17 =	simm.s32 @p0 $0x1  }
0x24: {  	_ =	swait.ge @p0 [sflag:s17], $0x2080  }
0x25: {  	[sflag:s17] =	ssyncset.done @p0 $0x0  }
0x26: {  	[sflag:s17] =	ssyncadd.s32 @p0 $0xFFFFDF80;
	s17 =	simm.s32 @!p0 $0x1  }
0x27: {  	[spmem:s12], [sflag:s11] =	dma.local @!p0 [hbm:s4], $0x2780  }
0x28: {  	_ =	swait.ge @!p0 [sflag:s17], $0x2780  }
0x29: {  	[sflag:s17] =	ssyncset.done @!p0 $0x0  }
0x2a: {  	s30 =	simm.s32 $0x0;
	[sflag:s17] =	ssyncadd.s32 @!p0 $0xFFFFD880  }
0x2b: {  	[tilespmem:s13], [sflag:$0x1] =	stream.linear.gather [hbm4b:s6+s30], $0x1400, $0x38;
	[tilespmem:$0x18C80] =	vst v63  }
0x2c: {  	_ =	swait.ge [sflag:s14], $0x1400  }
0x2d: {  	[sflag:s14] =	ssyncset.done $0x0  }
0x2e: {  	[sflag:s14] =	ssyncadd.s32 $0xFFFFEC00  }
0x2f: {  	s31 =	simm.s32 $0x13880;
	[bflag:$0x0] =	sbarrier.arrive $0xFFFF  }
0x30: {  	[spmem:s1] =	stream.indirect.scatter.add.f32 [tilespmem:s16], [sflag:$0x1], $0x80, s31, s15, $0xb8;
	[tilespmem:$0x18C80] =	vst v63  }
0x31: {  	s17 =	simm.s32 $0x200;
	_ =	swait.ge [sflag:s14], $0x3E80  }
.LBB2_4:
0x32: {  	s18 =	sshra.s32 s17, $0x2;
	[sflag:s14] =	ssyncset.done $0x0;
	p1 =	sne.s32 s17, $0x4E00  }
.Ltmp1:
0x33: {  	s18 =	sadd.s32 $0x13880, s18;
	[sflag:s14] =	ssyncadd.s32 $0xFFFFC180;
	(pc) =	sbr.rel @p1 .LBB2_4-.Ltmp1, $3  }
0x34: {  	[spmem:s1] =	stream.indirect.scatter.add.f32 [tilespmem:s16], [sflag:$0x1], $0x80, s18, s15, $0xb8;
	[tilespmem:$0x18C80] =	vst v63  }
0x35: {  	s17 =	sadd.s32 $0x200, s17;
	_ =	sdelay $0x1  }
0x36: {  	_ =	swait.ge [sflag:s14], $0x3E80  }
0x37: {  	[sflag:s14] =	ssyncset.done $0x0  }
0x38: {  	[sflag:s14] =	ssyncadd.s32 $0xFFFFC180  }
0x39: {  	s17 =	simm.s32 @p0 $0x1FC1;
	[bflag:$0x0] =	sbarrier.arrive $0xFFFF  }
0x3a: {  	[hbm:s8], [sflag:s17] =	dma.local @p0 [spmem:s10], $0x2080  }
0x3b: {  	s17 =	simm.s32 @p0 $0x1  }
0x3c: {  	s3 =	sadd.s32 $0x1, s3;
	_ =	swait.ge @p0 [sflag:s17], $0x2080  }
0x3d: {  	p1 =	sne.s32 s3, s9;
	[sflag:s17] =	ssyncset.done @p0 $0x0  }
.Ltmp2:
0x3e: {  	[sflag:s17] =	ssyncadd.s32 @p0 $0xFFFFDF80;
	s17 =	simm.s32 @!p0 $0x1;
	(pc) =	sbr.rel @p1 .LBB2_1-.Ltmp2, $4  }
0x3f: {  	[hbm:s7], [sflag:s11] =	dma.local @!p0 [spmem:s12], $0x2780  }
0x40: {  	_ =	swait.ge @!p0 [sflag:s17], $0x2780  }
0x41: {  	[sflag:s17] =	ssyncset.done @!p0 $0x0  }
0x42: {  	[sflag:s17] =	ssyncadd.s32 @!p0 $0xFFFFD880  }
0x43: {  	_ =	sfence.sel $0x180000  }
0x44: {  	[bflag:$0x0] =	sbarrier.arrive $0xFFFF  }
0x45: {  	p0 =	sne.s32 s2, $0x0;
	_ =	strace $0x90000047  }
0x46: {  	s0 =	sadd.s32 @!p0 $0x100000, s0;
	[bflag:$0x2] =	sbarrier.arrive $0xFFFF  }
0x47: {  	[sflag:s0] =	ssyncadd.tile.s32 @!p0 $0x1;
	_ =	shalt  }
.Lfunc_end2:
_tile_overlayer_lowered:
.L_overlay_start_2:
0x48: {  	(tag) =	ssettag $0x2  }
0x49: {  	s0 =	rddreg [dreg:$0x0];
	s2 =	stileid.u32  }
0x4a: {  	s1 =	rddreg [dreg:$0x1];
	p0 =	sne.s32 s2, $0x0  }
0x4b: {  	s3 =	rddreg [dreg:$0x2];
	[bflag:$0x3] =	sbarrier.arrive $0xFFFF;
	s2 =	simm.s32 @!p0 $0x1C01  }
0x4c: {  	[timem:s3], [sflag:s2] =	dma.local @!p0 [hbm:s0], s1  }
0x4d: {  	s0 =	simm.s32 @!p0 $0x1  }
0x4e: {  	_ =	swait.ge @!p0 [sflag:s0], s1  }
0x4f: {  	s1 =	ssub.s32 @!p0 $0x0, s1;
	[sflag:s0] =	ssyncset.done @!p0 $0x0  }
0x50: {  	[sflag:s0] =	ssyncadd.s32 @!p0 s1  }
0x51: {  	[bflag:$0x3] =	sbarrier.arrive $0xFFFF  }
0x52: {  	_ =	shalt  }

</sc_bundles>
